<compile_context>
chip_gen: v7x
topology: tpu7x:2x2x1
jax: 0.10.2.dev20260603
libtpu: 0.0.44.dev20260713+nightly
codegen_flags: <defaults>
</compile_context>

<pallas_src>
import jax
import jax.numpy as jnp
from jax import lax
from jax.experimental import pallas as pl
from jax.experimental.pallas import tpu as pltpu
from jax.experimental.pallas import tpu_sc as plsc

D_MODEL = 1024
NC, NS = 2, 16
RB = 256


def _sc_body(x_hbm, emb_hbm, out_hbm, sp, sem0, sem1):
    B, S, _ = x_hbm.shape
    c = lax.axis_index("c")
    sid = lax.axis_index("s")
    sems = (sem0, sem1)
    n = 2 * (S // RB)

    @pl.when(sid == 0)
    def _():
        dd = {}
        for t in range(n):
            b = c * 2 + t // (S // RB)
            r0 = (t % (S // RB)) * RB
            if t - 2 >= 0:
                dd[t - 2].wait()
            dd[t] = pltpu.async_copy(
                x_hbm.at[b, pl.ds(r0, RB)], sp.at[t % 2], sems[t % 2])
        dd[n - 2].wait()
        dd[n - 1].wait()


def kernel(x, emb):
    B, S, D = x.shape
    mesh = plsc.VectorSubcoreMesh(core_axis_name="c", subcore_axis_name="s")
    scratch = (
        [pltpu.VMEM_SHARED((2, RB, D), jnp.float32)]
        + [pltpu.SemaphoreType.DMA for _ in range(2)]
    )
    return pl.kernel(
        _sc_body,
        out_type=jax.ShapeDtypeStruct((B, S, D), x.dtype),
        mesh=mesh,
        scratch_types=scratch,
    )(x, emb[:S])

# --- scband reference (transcript-rebuilt; emitter-appended) ---
"""Pipeline reference for scband-positional-encoding-25202868093698 (READ-ONLY COPY).

The authoritative reference and input builder live on the scoring server;
editing this copy changes nothing except your own understanding.
"""

import jax, jax.numpy as jnp
import numpy as np

D_MODEL = 1024
NUM_POSITIONS = 4096

def setup_inputs(seed: int = 0) -> dict:
    key = jax.random.key(seed)
    k1, k2 = jax.random.split(key)
    x = jax.random.normal(k1, (4, 4096, D_MODEL), dtype=jnp.float32)
    # nn.Embedding default init: N(0, 1)
    emb = jax.random.normal(k2, (NUM_POSITIONS, D_MODEL), dtype=jnp.float32)
    return {"x": x, "emb": emb}

def reference(x, emb):
    seq_len = x.shape[-2]
    pos_indices = jnp.arange(seq_len, dtype=jnp.int32)
    pos_emb = jnp.take(emb, pos_indices, axis=0)  # [S, d_model]
    # batched=True: unsqueeze(0) then broadcast-add
    return x + pos_emb[None, :, :]

if __name__ == "__main__":
    import jax
    _d = setup_inputs()
    print(jax.jit(kernel)(*tuple(_d.values())))

</pallas_src>

<mosaic_0001>
#map = affine_map<(d0, d1) -> (0, 0, 0)>
#map1 = affine_map<(d0, d1) -> (0, 0)>
module attributes {stable_mosaic.version = 14 : i64} {
  func.func @_sc_body(%arg0: i32, %arg1: i32, %arg2: memref<4x4096x1024xf32, #tpu.memory_space<hbm>>, %arg3: memref<4096x1024xf32, #tpu.memory_space<hbm>>, %arg4: memref<4x4096x1024xf32, #tpu.memory_space<hbm>>, %arg5: memref<2x256x1024xf32, #tpu.memory_space<vmem_shared>>, %arg6: memref<!tpu.dma_semaphore, #tpu.memory_space<semaphore_mem>>, %arg7: memref<!tpu.dma_semaphore, #tpu.memory_space<semaphore_mem>>) attributes {dimension_semantics = [#tpu.dimension_semantics<core_parallel>, #tpu.dimension_semantics<subcore_parallel>], iteration_bounds = array<i64: 2, 16>, scalar_prefetch = 0 : i64, scratch_operands = 3 : i64, tpu.core_type = #tpu.core_type<sc_vector_subcore>, window_params = [{transform_indices = #map}, {transform_indices = #map1}, {transform_indices = #map}]} {
    %eq3A = arith.constant 0 : i32
    %eq3A_0 = arith.cmpi eq, %arg1, %eq3A : i32
    %convert_element_type3A = arith.extui %eq3A_0 : i1 to i32
    %cond3A = arith.constant 0 : i32
    %cond3A_1 = arith.cmpi ne, %convert_element_type3A, %cond3A : i32
    scf.if %cond3A_1 {
      %mul3A = arith.constant 2 : i32
      %mul3A_2 = arith.muli %arg0, %mul3A : i32
      %add3A = arith.constant 0 : i32
      %add3A_3 = arith.addi %mul3A_2, %add3A : i32
      %dma_start3A = arith.constant 0 : i32
      %dma_start3A_4 = arith.constant 0 : i32
      %dma_start3A_5 = arith.constant 0 : i32
      %dma_start3A_6 = tpu.memref_slice %arg5[%dma_start3A, %dma_start3A_4, %dma_start3A_5] : memref<2x256x1024xf32, #tpu.memory_space<vmem_shared>> -> memref<1x256x1024xf32, #tpu.memory_space<vmem_shared>>
      %dma_start3A_7 = tpu.memref_squeeze %dma_start3A_6 : memref<1x256x1024xf32, #tpu.memory_space<vmem_shared>> -> memref<256x1024xf32, #tpu.memory_space<vmem_shared>>
      %dma_start3A_8 = arith.constant 0 : i32
      %dma_start3A_9 = arith.constant 0 : i32
      %dma_start3A_10 = tpu.memref_slice %arg2[%add3A_3, %dma_start3A_8, %dma_start3A_9] : memref<4x4096x1024xf32, #tpu.memory_space<hbm>> -> memref<1x256x1024xf32, #tpu.memory_space<hbm>>
      %dma_start3A_11 = tpu.memref_squeeze %dma_start3A_10 : memref<1x256x1024xf32, #tpu.memory_space<hbm>> -> memref<256x1024xf32, #tpu.memory_space<hbm>>
      tpu.enqueue_dma source(%dma_start3A_11 : memref<256x1024xf32, #tpu.memory_space<hbm>>) target(%dma_start3A_7 : memref<256x1024xf32, #tpu.memory_space<vmem_shared>>) target_semaphore(%arg6 : memref<!tpu.dma_semaphore, #tpu.memory_space<semaphore_mem>>)
      %mul3A_12 = arith.constant 2 : i32
      %mul3A_13 = arith.muli %arg0, %mul3A_12 : i32
      %add3A_14 = arith.constant 0 : i32
      %add3A_15 = arith.addi %mul3A_13, %add3A_14 : i32
      %dma_start3A_16 = arith.constant 1 : i32
      %dma_start3A_17 = arith.constant 0 : i32
      %dma_start3A_18 = arith.constant 0 : i32
      %dma_start3A_19 = tpu.memref_slice %arg5[%dma_start3A_16, %dma_start3A_17, %dma_start3A_18] : memref<2x256x1024xf32, #tpu.memory_space<vmem_shared>> -> memref<1x256x1024xf32, #tpu.memory_space<vmem_shared>>
      %dma_start3A_20 = tpu.memref_squeeze %dma_start3A_19 : memref<1x256x1024xf32, #tpu.memory_space<vmem_shared>> -> memref<256x1024xf32, #tpu.memory_space<vmem_shared>>
      %dma_start3A_21 = arith.constant 256 : i32
      %dma_start3A_22 = arith.constant 0 : i32
      %dma_start3A_23 = tpu.memref_slice %arg2[%add3A_15, %dma_start3A_21, %dma_start3A_22] : memref<4x4096x1024xf32, #tpu.memory_space<hbm>> -> memref<1x256x1024xf32, #tpu.memory_space<hbm>>
      %dma_start3A_24 = tpu.memref_squeeze %dma_start3A_23 : memref<1x256x1024xf32, #tpu.memory_space<hbm>> -> memref<256x1024xf32, #tpu.memory_space<hbm>>
      tpu.enqueue_dma source(%dma_start3A_24 : memref<256x1024xf32, #tpu.memory_space<hbm>>) target(%dma_start3A_20 : memref<256x1024xf32, #tpu.memory_space<vmem_shared>>) target_semaphore(%arg7 : memref<!tpu.dma_semaphore, #tpu.memory_space<semaphore_mem>>)
      %mul3A_25 = arith.constant 2 : i32
      %mul3A_26 = arith.muli %arg0, %mul3A_25 : i32
      %add3A_27 = arith.constant 0 : i32
      %add3A_28 = arith.addi %mul3A_26, %add3A_27 : i32
      %dma_wait3A = arith.constant 0 : i32
      %dma_wait3A_29 = arith.constant 0 : i32
      %dma_wait3A_30 = arith.constant 0 : i32
      %dma_wait3A_31 = tpu.memref_slice %arg5[%dma_wait3A, %dma_wait3A_29, %dma_wait3A_30] : memref<2x256x1024xf32, #tpu.memory_space<vmem_shared>> -> memref<1x256x1024xf32, #tpu.memory_space<vmem_shared>>
      %dma_wait3A_32 = tpu.memref_squeeze %dma_wait3A_31 : memref<1x256x1024xf32, #tpu.memory_space<vmem_shared>> -> memref<256x1024xf32, #tpu.memory_space<vmem_shared>>
      %dma_wait3A_33 = arith.constant 0 : i32
      %dma_wait3A_34 = arith.constant 0 : i32
      %dma_wait3A_35 = tpu.memref_slice %arg2[%add3A_3, %dma_wait3A_33, %dma_wait3A_34] : memref<4x4096x1024xf32, #tpu.memory_space<hbm>> -> memref<1x256x1024xf32, #tpu.memory_space<hbm>>
      %dma_wait3A_36 = tpu.memref_squeeze %dma_wait3A_35 : memref<1x256x1024xf32, #tpu.memory_space<hbm>> -> memref<256x1024xf32, #tpu.memory_space<hbm>>
      tpu.wait_dma2 semaphore(%arg6 : memref<!tpu.dma_semaphore, #tpu.memory_space<semaphore_mem>>) src(%dma_wait3A_36 : memref<256x1024xf32, #tpu.memory_space<hbm>>) dst(%dma_wait3A_32 : memref<256x1024xf32, #tpu.memory_space<vmem_shared>>)
      %dma_start3A_37 = arith.constant 0 : i32
      %dma_start3A_38 = arith.constant 0 : i32
      %dma_start3A_39 = arith.constant 0 : i32
      %dma_start3A_40 = tpu.memref_slice %arg5[%dma_start3A_37, %dma_start3A_38, %dma_start3A_39] : memref<2x256x1024xf32, #tpu.memory_space<vmem_shared>> -> memref<1x256x1024xf32, #tpu.memory_space<vmem_shared>>
      %dma_start3A_41 = tpu.memref_squeeze %dma_start3A_40 : memref<1x256x1024xf32, #tpu.memory_space<vmem_shared>> -> memref<256x1024xf32, #tpu.memory_space<vmem_shared>>
      %dma_start3A_42 = arith.constant 512 : i32
      %dma_start3A_43 = arith.constant 0 : i32
      %dma_start3A_44 = tpu.memref_slice %arg2[%add3A_28, %dma_start3A_42, %dma_start3A_43] : memref<4x4096x1024xf32, #tpu.memory_space<hbm>> -> memref<1x256x1024xf32, #tpu.memory_space<hbm>>
      %dma_start3A_45 = tpu.memref_squeeze %dma_start3A_44 : memref<1x256x1024xf32, #tpu.memory_space<hbm>> -> memref<256x1024xf32, #tpu.memory_space<hbm>>
      tpu.enqueue_dma source(%dma_start3A_45 : memref<256x1024xf32, #tpu.memory_space<hbm>>) target(%dma_start3A_41 : memref<256x1024xf32, #tpu.memory_space<vmem_shared>>) target_semaphore(%arg6 : memref<!tpu.dma_semaphore, #tpu.memory_space<semaphore_mem>>)
      %mul3A_46 = arith.constant 2 : i32
      %mul3A_47 = arith.muli %arg0, %mul3A_46 : i32
      %add3A_48 = arith.constant 0 : i32
      %add3A_49 = arith.addi %mul3A_47, %add3A_48 : i32
      %dma_wait3A_50 = arith.constant 1 : i32
      %dma_wait3A_51 = arith.constant 0 : i32
      %dma_wait3A_52 = arith.constant 0 : i32
      %dma_wait3A_53 = tpu.memref_slice %arg5[%dma_wait3A_50, %dma_wait3A_51, %dma_wait3A_52] : memref<2x256x1024xf32, #tpu.memory_space<vmem_shared>> -> memref<1x256x1024xf32, #tpu.memory_space<vmem_shared>>
      %dma_wait3A_54 = tpu.memref_squeeze %dma_wait3A_53 : memref<1x256x1024xf32, #tpu.memory_space<vmem_shared>> -> memref<256x1024xf32, #tpu.memory_space<vmem_shared>>
      %dma_wait3A_55 = arith.constant 256 : i32
      %dma_wait3A_56 = arith.constant 0 : i32
      %dma_wait3A_57 = tpu.memref_slice %arg2[%add3A_15, %dma_wait3A_55, %dma_wait3A_56] : memref<4x4096x1024xf32, #tpu.memory_space<hbm>> -> memref<1x256x1024xf32, #tpu.memory_space<hbm>>
      %dma_wait3A_58 = tpu.memref_squeeze %dma_wait3A_57 : memref<1x256x1024xf32, #tpu.memory_space<hbm>> -> memref<256x1024xf32, #tpu.memory_space<hbm>>
      tpu.wait_dma2 semaphore(%arg7 : memref<!tpu.dma_semaphore, #tpu.memory_space<semaphore_mem>>) src(%dma_wait3A_58 : memref<256x1024xf32, #tpu.memory_space<hbm>>) dst(%dma_wait3A_54 : memref<256x1024xf32, #tpu.memory_space<vmem_shared>>)
      %dma_start3A_59 = arith.constant 1 : i32
      %dma_start3A_60 = arith.constant 0 : i32
      %dma_start3A_61 = arith.constant 0 : i32
      %dma_start3A_62 = tpu.memref_slice %arg5[%dma_start3A_59, %dma_start3A_60, %dma_start3A_61] : memref<2x256x1024xf32, #tpu.memory_space<vmem_shared>> -> memref<1x256x1024xf32, #tpu.memory_space<vmem_shared>>
      %dma_start3A_63 = tpu.memref_squeeze %dma_start3A_62 : memref<1x256x1024xf32, #tpu.memory_space<vmem_shared>> -> memref<256x1024xf32, #tpu.memory_space<vmem_shared>>
      %dma_start3A_64 = arith.constant 768 : i32
      %dma_start3A_65 = arith.constant 0 : i32
      %dma_start3A_66 = tpu.memref_slice %arg2[%add3A_49, %dma_start3A_64, %dma_start3A_65] : memref<4x4096x1024xf32, #tpu.memory_space<hbm>> -> memref<1x256x1024xf32, #tpu.memory_space<hbm>>
      %dma_start3A_67 = tpu.memref_squeeze %dma_start3A_66 : memref<1x256x1024xf32, #tpu.memory_space<hbm>> -> memref<256x1024xf32, #tpu.memory_space<hbm>>
      tpu.enqueue_dma source(%dma_start3A_67 : memref<256x1024xf32, #tpu.memory_space<hbm>>) target(%dma_start3A_63 : memref<256x1024xf32, #tpu.memory_space<vmem_shared>>) target_semaphore(%arg7 : memref<!tpu.dma_semaphore, #tpu.memory_space<semaphore_mem>>)
      %mul3A_68 = arith.constant 2 : i32
      %mul3A_69 = arith.muli %arg0, %mul3A_68 : i32
      %add3A_70 = arith.constant 0 : i32
      %add3A_71 = arith.addi %mul3A_69, %add3A_70 : i32
      %dma_wait3A_72 = arith.constant 0 : i32
      %dma_wait3A_73 = arith.constant 0 : i32
      %dma_wait3A_74 = arith.constant 0 : i32
      %dma_wait3A_75 = tpu.memref_slice %arg5[%dma_wait3A_72, %dma_wait3A_73, %dma_wait3A_74] : memref<2x256x1024xf32, #tpu.memory_space<vmem_shared>> -> memref<1x256x1024xf32, #tpu.memory_space<vmem_shared>>
      %dma_wait3A_76 = tpu.memref_squeeze %dma_wait3A_75 : memref<1x256x1024xf32, #tpu.memory_space<vmem_shared>> -> memref<256x1024xf32, #tpu.memory_space<vmem_shared>>
      %dma_wait3A_77 = arith.constant 512 : i32
      %dma_wait3A_78 = arith.constant 0 : i32
      %dma_wait3A_79 = tpu.memref_slice %arg2[%add3A_28, %dma_wait3A_77, %dma_wait3A_78] : memref<4x4096x1024xf32, #tpu.memory_space<hbm>> -> memref<1x256x1024xf32, #tpu.memory_space<hbm>>
      %dma_wait3A_80 = tpu.memref_squeeze %dma_wait3A_79 : memref<1x256x1024xf32, #tpu.memory_space<hbm>> -> memref<256x1024xf32, #tpu.memory_space<hbm>>
      tpu.wait_dma2 semaphore(%arg6 : memref<!tpu.dma_semaphore, #tpu.memory_space<semaphore_mem>>) src(%dma_wait3A_80 : memref<256x1024xf32, #tpu.memory_space<hbm>>) dst(%dma_wait3A_76 : memref<256x1024xf32, #tpu.memory_space<vmem_shared>>)
      %dma_start3A_81 = arith.constant 0 : i32
      %dma_start3A_82 = arith.constant 0 : i32
      %dma_start3A_83 = arith.constant 0 : i32
      %dma_start3A_84 = tpu.memref_slice %arg5[%dma_start3A_81, %dma_start3A_82, %dma_start3A_83] : memref<2x256x1024xf32, #tpu.memory_space<vmem_shared>> -> memref<1x256x1024xf32, #tpu.memory_space<vmem_shared>>
      %dma_start3A_85 = tpu.memref_squeeze %dma_start3A_84 : memref<1x256x1024xf32, #tpu.memory_space<vmem_shared>> -> memref<256x1024xf32, #tpu.memory_space<vmem_shared>>
      %dma_start3A_86 = arith.constant 1024 : i32
      %dma_start3A_87 = arith.constant 0 : i32
      %dma_start3A_88 = tpu.memref_slice %arg2[%add3A_71, %dma_start3A_86, %dma_start3A_87] : memref<4x4096x1024xf32, #tpu.memory_space<hbm>> -> memref<1x256x1024xf32, #tpu.memory_space<hbm>>
      %dma_start3A_89 = tpu.memref_squeeze %dma_start3A_88 : memref<1x256x1024xf32, #tpu.memory_space<hbm>> -> memref<256x1024xf32, #tpu.memory_space<hbm>>
      tpu.enqueue_dma source(%dma_start3A_89 : memref<256x1024xf32, #tpu.memory_space<hbm>>) target(%dma_start3A_85 : memref<256x1024xf32, #tpu.memory_space<vmem_shared>>) target_semaphore(%arg6 : memref<!tpu.dma_semaphore, #tpu.memory_space<semaphore_mem>>)
      %mul3A_90 = arith.constant 2 : i32
      %mul3A_91 = arith.muli %arg0, %mul3A_90 : i32
      %add3A_92 = arith.constant 0 : i32
      %add3A_93 = arith.addi %mul3A_91, %add3A_92 : i32
      %dma_wait3A_94 = arith.constant 1 : i32
      %dma_wait3A_95 = arith.constant 0 : i32
      %dma_wait3A_96 = arith.constant 0 : i32
      %dma_wait3A_97 = tpu.memref_slice %arg5[%dma_wait3A_94, %dma_wait3A_95, %dma_wait3A_96] : memref<2x256x1024xf32, #tpu.memory_space<vmem_shared>> -> memref<1x256x1024xf32, #tpu.memory_space<vmem_shared>>
      %dma_wait3A_98 = tpu.memref_squeeze %dma_wait3A_97 : memref<1x256x1024xf32, #tpu.memory_space<vmem_shared>> -> memref<256x1024xf32, #tpu.memory_space<vmem_shared>>
      %dma_wait3A_99 = arith.constant 768 : i32
      %dma_wait3A_100 = arith.constant 0 : i32
      %dma_wait3A_101 = tpu.memref_slice %arg2[%add3A_49, %dma_wait3A_99, %dma_wait3A_100] : memref<4x4096x1024xf32, #tpu.memory_space<hbm>> -> memref<1x256x1024xf32, #tpu.memory_space<hbm>>
      %dma_wait3A_102 = tpu.memref_squeeze %dma_wait3A_101 : memref<1x256x1024xf32, #tpu.memory_space<hbm>> -> memref<256x1024xf32, #tpu.memory_space<hbm>>
      tpu.wait_dma2 semaphore(%arg7 : memref<!tpu.dma_semaphore, #tpu.memory_space<semaphore_mem>>) src(%dma_wait3A_102 : memref<256x1024xf32, #tpu.memory_space<hbm>>) dst(%dma_wait3A_98 : memref<256x1024xf32, #tpu.memory_space<vmem_shared>>)
      %dma_start3A_103 = arith.constant 1 : i32
      %dma_start3A_104 = arith.constant 0 : i32
      %dma_start3A_105 = arith.constant 0 : i32
      %dma_start3A_106 = tpu.memref_slice %arg5[%dma_start3A_103, %dma_start3A_104, %dma_start3A_105] : memref<2x256x1024xf32, #tpu.memory_space<vmem_shared>> -> memref<1x256x1024xf32, #tpu.memory_space<vmem_shared>>
      %dma_start3A_107 = tpu.memref_squeeze %dma_start3A_106 : memref<1x256x1024xf32, #tpu.memory_space<vmem_shared>> -> memref<256x1024xf32, #tpu.memory_space<vmem_shared>>
      %dma_start3A_108 = arith.constant 1280 : i32
      %dma_start3A_109 = arith.constant 0 : i32
      %dma_start3A_110 = tpu.memref_slice %arg2[%add3A_93, %dma_start3A_108, %dma_start3A_109] : memref<4x4096x1024xf32, #tpu.memory_space<hbm>> -> memref<1x256x1024xf32, #tpu.memory_space<hbm>>
      %dma_start3A_111 = tpu.memref_squeeze %dma_start3A_110 : memref<1x256x1024xf32, #tpu.memory_space<hbm>> -> memref<256x1024xf32, #tpu.memory_space<hbm>>
      tpu.enqueue_dma source(%dma_start3A_111 : memref<256x1024xf32, #tpu.memory_space<hbm>>) target(%dma_start3A_107 : memref<256x1024xf32, #tpu.memory_space<vmem_shared>>) target_semaphore(%arg7 : memref<!tpu.dma_semaphore, #tpu.memory_space<semaphore_mem>>)
      %mul3A_112 = arith.constant 2 : i32
      %mul3A_113 = arith.muli %arg0, %mul3A_112 : i32
      %add3A_114 = arith.constant 0 : i32
      %add3A_115 = arith.addi %mul3A_113, %add3A_114 : i32
      %dma_wait3A_116 = arith.constant 0 : i32
      %dma_wait3A_117 = arith.constant 0 : i32
      %dma_wait3A_118 = arith.constant 0 : i32
      %dma_wait3A_119 = tpu.memref_slice %arg5[%dma_wait3A_116, %dma_wait3A_117, %dma_wait3A_118] : memref<2x256x1024xf32, #tpu.memory_space<vmem_shared>> -> memref<1x256x1024xf32, #tpu.memory_space<vmem_shared>>
      %dma_wait3A_120 = tpu.memref_squeeze %dma_wait3A_119 : memref<1x256x1024xf32, #tpu.memory_space<vmem_shared>> -> memref<256x1024xf32, #tpu.memory_space<vmem_shared>>
      %dma_wait3A_121 = arith.constant 1024 : i32
      %dma_wait3A_122 = arith.constant 0 : i32
      %dma_wait3A_123 = tpu.memref_slice %arg2[%add3A_71, %dma_wait3A_121, %dma_wait3A_122] : memref<4x4096x1024xf32, #tpu.memory_space<hbm>> -> memref<1x256x1024xf32, #tpu.memory_space<hbm>>
      %dma_wait3A_124 = tpu.memref_squeeze %dma_wait3A_123 : memref<1x256x1024xf32, #tpu.memory_space<hbm>> -> memref<256x1024xf32, #tpu.memory_space<hbm>>
      tpu.wait_dma2 semaphore(%arg6 : memref<!tpu.dma_semaphore, #tpu.memory_space<semaphore_mem>>) src(%dma_wait3A_124 : memref<256x1024xf32, #tpu.memory_space<hbm>>) dst(%dma_wait3A_120 : memref<256x1024xf32, #tpu.memory_space<vmem_shared>>)
      %dma_start3A_125 = arith.constant 0 : i32
      %dma_start3A_126 = arith.constant 0 : i32
      %dma_start3A_127 = arith.constant 0 : i32
      %dma_start3A_128 = tpu.memref_slice %arg5[%dma_start3A_125, %dma_start3A_126, %dma_start3A_127] : memref<2x256x1024xf32, #tpu.memory_space<vmem_shared>> -> memref<1x256x1024xf32, #tpu.memory_space<vmem_shared>>
      %dma_start3A_129 = tpu.memref_squeeze %dma_start3A_128 : memref<1x256x1024xf32, #tpu.memory_space<vmem_shared>> -> memref<256x1024xf32, #tpu.memory_space<vmem_shared>>
      %dma_start3A_130 = arith.constant 1536 : i32
      %dma_start3A_131 = arith.constant 0 : i32
      %dma_start3A_132 = tpu.memref_slice %arg2[%add3A_115, %dma_start3A_130, %dma_start3A_131] : memref<4x4096x1024xf32, #tpu.memory_space<hbm>> -> memref<1x256x1024xf32, #tpu.memory_space<hbm>>
      %dma_start3A_133 = tpu.memref_squeeze %dma_start3A_132 : memref<1x256x1024xf32, #tpu.memory_space<hbm>> -> memref<256x1024xf32, #tpu.memory_space<hbm>>
      tpu.enqueue_dma source(%dma_start3A_133 : memref<256x1024xf32, #tpu.memory_space<hbm>>) target(%dma_start3A_129 : memref<256x1024xf32, #tpu.memory_space<vmem_shared>>) target_semaphore(%arg6 : memref<!tpu.dma_semaphore, #tpu.memory_space<semaphore_mem>>)
      %mul3A_134 = arith.constant 2 : i32
      %mul3A_135 = arith.muli %arg0, %mul3A_134 : i32
      %add3A_136 = arith.constant 0 : i32
      %add3A_137 = arith.addi %mul3A_135, %add3A_136 : i32
      %dma_wait3A_138 = arith.constant 1 : i32
      %dma_wait3A_139 = arith.constant 0 : i32
      %dma_wait3A_140 = arith.constant 0 : i32
      %dma_wait3A_141 = tpu.memref_slice %arg5[%dma_wait3A_138, %dma_wait3A_139, %dma_wait3A_140] : memref<2x256x1024xf32, #tpu.memory_space<vmem_shared>> -> memref<1x256x1024xf32, #tpu.memory_space<vmem_shared>>
      %dma_wait3A_142 = tpu.memref_squeeze %dma_wait3A_141 : memref<1x256x1024xf32, #tpu.memory_space<vmem_shared>> -> memref<256x1024xf32, #tpu.memory_space<vmem_shared>>
      %dma_wait3A_143 = arith.constant 1280 : i32
      %dma_wait3A_144 = arith.constant 0 : i32
      %dma_wait3A_145 = tpu.memref_slice %arg2[%add3A_93, %dma_wait3A_143, %dma_wait3A_144] : memref<4x4096x1024xf32, #tpu.memory_space<hbm>> -> memref<1x256x1024xf32, #tpu.memory_space<hbm>>
      %dma_wait3A_146 = tpu.memref_squeeze %dma_wait3A_145 : memref<1x256x1024xf32, #tpu.memory_space<hbm>> -> memref<256x1024xf32, #tpu.memory_space<hbm>>
      tpu.wait_dma2 semaphore(%arg7 : memref<!tpu.dma_semaphore, #tpu.memory_space<semaphore_mem>>) src(%dma_wait3A_146 : memref<256x1024xf32, #tpu.memory_space<hbm>>) dst(%dma_wait3A_142 : memref<256x1024xf32, #tpu.memory_space<vmem_shared>>)
      %dma_start3A_147 = arith.constant 1 : i32
      %dma_start3A_148 = arith.constant 0 : i32
      %dma_start3A_149 = arith.constant 0 : i32
      %dma_start3A_150 = tpu.memref_slice %arg5[%dma_start3A_147, %dma_start3A_148, %dma_start3A_149] : memref<2x256x1024xf32, #tpu.memory_space<vmem_shared>> -> memref<1x256x1024xf32, #tpu.memory_space<vmem_shared>>
      %dma_start3A_151 = tpu.memref_squeeze %dma_start3A_150 : memref<1x256x1024xf32, #tpu.memory_space<vmem_shared>> -> memref<256x1024xf32, #tpu.memory_space<vmem_shared>>
      %dma_start3A_152 = arith.constant 1792 : i32
      %dma_start3A_153 = arith.constant 0 : i32
      %dma_start3A_154 = tpu.memref_slice %arg2[%add3A_137, %dma_start3A_152, %dma_start3A_153] : memref<4x4096x1024xf32, #tpu.memory_space<hbm>> -> memref<1x256x1024xf32, #tpu.memory_space<hbm>>
      %dma_start3A_155 = tpu.memref_squeeze %dma_start3A_154 : memref<1x256x1024xf32, #tpu.memory_space<hbm>> -> memref<256x1024xf32, #tpu.memory_space<hbm>>
      tpu.enqueue_dma source(%dma_start3A_155 : memref<256x1024xf32, #tpu.memory_space<hbm>>) target(%dma_start3A_151 : memref<256x1024xf32, #tpu.memory_space<vmem_shared>>) target_semaphore(%arg7 : memref<!tpu.dma_semaphore, #tpu.memory_space<semaphore_mem>>)
      %mul3A_156 = arith.constant 2 : i32
      %mul3A_157 = arith.muli %arg0, %mul3A_156 : i32
      %add3A_158 = arith.constant 0 : i32
      %add3A_159 = arith.addi %mul3A_157, %add3A_158 : i32
      %dma_wait3A_160 = arith.constant 0 : i32
      %dma_wait3A_161 = arith.constant 0 : i32
      %dma_wait3A_162 = arith.constant 0 : i32
      %dma_wait3A_163 = tpu.memref_slice %arg5[%dma_wait3A_160, %dma_wait3A_161, %dma_wait3A_162] : memref<2x256x1024xf32, #tpu.memory_space<vmem_shared>> -> memref<1x256x1024xf32, #tpu.memory_space<vmem_shared>>
      %dma_wait3A_164 = tpu.memref_squeeze %dma_wait3A_163 : memref<1x256x1024xf32, #tpu.memory_space<vmem_shared>> -> memref<256x1024xf32, #tpu.memory_space<vmem_shared>>
      %dma_wait3A_165 = arith.constant 1536 : i32
      %dma_wait3A_166 = arith.constant 0 : i32
      %dma_wait3A_167 = tpu.memref_slice %arg2[%add3A_115, %dma_wait3A_165, %dma_wait3A_166] : memref<4x4096x1024xf32, #tpu.memory_space<hbm>> -> memref<1x256x1024xf32, #tpu.memory_space<hbm>>
      %dma_wait3A_168 = tpu.memref_squeeze %dma_wait3A_167 : memref<1x256x1024xf32, #tpu.memory_space<hbm>> -> memref<256x1024xf32, #tpu.memory_space<hbm>>
      tpu.wait_dma2 semaphore(%arg6 : memref<!tpu.dma_semaphore, #tpu.memory_space<semaphore_mem>>) src(%dma_wait3A_168 : memref<256x1024xf32, #tpu.memory_space<hbm>>) dst(%dma_wait3A_164 : memref<256x1024xf32, #tpu.memory_space<vmem_shared>>)
      %dma_start3A_169 = arith.constant 0 : i32
      %dma_start3A_170 = arith.constant 0 : i32
      %dma_start3A_171 = arith.constant 0 : i32
      %dma_start3A_172 = tpu.memref_slice %arg5[%dma_start3A_169, %dma_start3A_170, %dma_start3A_171] : memref<2x256x1024xf32, #tpu.memory_space<vmem_shared>> -> memref<1x256x1024xf32, #tpu.memory_space<vmem_shared>>
      %dma_start3A_173 = tpu.memref_squeeze %dma_start3A_172 : memref<1x256x1024xf32, #tpu.memory_space<vmem_shared>> -> memref<256x1024xf32, #tpu.memory_space<vmem_shared>>
      %dma_start3A_174 = arith.constant 2048 : i32
      %dma_start3A_175 = arith.constant 0 : i32
      %dma_start3A_176 = tpu.memref_slice %arg2[%add3A_159, %dma_start3A_174, %dma_start3A_175] : memref<4x4096x1024xf32, #tpu.memory_space<hbm>> -> memref<1x256x1024xf32, #tpu.memory_space<hbm>>
      %dma_start3A_177 = tpu.memref_squeeze %dma_start3A_176 : memref<1x256x1024xf32, #tpu.memory_space<hbm>> -> memref<256x1024xf32, #tpu.memory_space<hbm>>
      tpu.enqueue_dma source(%dma_start3A_177 : memref<256x1024xf32, #tpu.memory_space<hbm>>) target(%dma_start3A_173 : memref<256x1024xf32, #tpu.memory_space<vmem_shared>>) target_semaphore(%arg6 : memref<!tpu.dma_semaphore, #tpu.memory_space<semaphore_mem>>)
      %mul3A_178 = arith.constant 2 : i32
      %mul3A_179 = arith.muli %arg0, %mul3A_178 : i32
      %add3A_180 = arith.constant 0 : i32
      %add3A_181 = arith.addi %mul3A_179, %add3A_180 : i32
      %dma_wait3A_182 = arith.constant 1 : i32
      %dma_wait3A_183 = arith.constant 0 : i32
      %dma_wait3A_184 = arith.constant 0 : i32
      %dma_wait3A_185 = tpu.memref_slice %arg5[%dma_wait3A_182, %dma_wait3A_183, %dma_wait3A_184] : memref<2x256x1024xf32, #tpu.memory_space<vmem_shared>> -> memref<1x256x1024xf32, #tpu.memory_space<vmem_shared>>
      %dma_wait3A_186 = tpu.memref_squeeze %dma_wait3A_185 : memref<1x256x1024xf32, #tpu.memory_space<vmem_shared>> -> memref<256x1024xf32, #tpu.memory_space<vmem_shared>>
      %dma_wait3A_187 = arith.constant 1792 : i32
      %dma_wait3A_188 = arith.constant 0 : i32
      %dma_wait3A_189 = tpu.memref_slice %arg2[%add3A_137, %dma_wait3A_187, %dma_wait3A_188] : memref<4x4096x1024xf32, #tpu.memory_space<hbm>> -> memref<1x256x1024xf32, #tpu.memory_space<hbm>>
      %dma_wait3A_190 = tpu.memref_squeeze %dma_wait3A_189 : memref<1x256x1024xf32, #tpu.memory_space<hbm>> -> memref<256x1024xf32, #tpu.memory_space<hbm>>
      tpu.wait_dma2 semaphore(%arg7 : memref<!tpu.dma_semaphore, #tpu.memory_space<semaphore_mem>>) src(%dma_wait3A_190 : memref<256x1024xf32, #tpu.memory_space<hbm>>) dst(%dma_wait3A_186 : memref<256x1024xf32, #tpu.memory_space<vmem_shared>>)
      %dma_start3A_191 = arith.constant 1 : i32
      %dma_start3A_192 = arith.constant 0 : i32
      %dma_start3A_193 = arith.constant 0 : i32
      %dma_start3A_194 = tpu.memref_slice %arg5[%dma_start3A_191, %dma_start3A_192, %dma_start3A_193] : memref<2x256x1024xf32, #tpu.memory_space<vmem_shared>> -> memref<1x256x1024xf32, #tpu.memory_space<vmem_shared>>
      %dma_start3A_195 = tpu.memref_squeeze %dma_start3A_194 : memref<1x256x1024xf32, #tpu.memory_space<vmem_shared>> -> memref<256x1024xf32, #tpu.memory_space<vmem_shared>>
      %dma_start3A_196 = arith.constant 2304 : i32
      %dma_start3A_197 = arith.constant 0 : i32
      %dma_start3A_198 = tpu.memref_slice %arg2[%add3A_181, %dma_start3A_196, %dma_start3A_197] : memref<4x4096x1024xf32, #tpu.memory_space<hbm>> -> memref<1x256x1024xf32, #tpu.memory_space<hbm>>
      %dma_start3A_199 = tpu.memref_squeeze %dma_start3A_198 : memref<1x256x1024xf32, #tpu.memory_space<hbm>> -> memref<256x1024xf32, #tpu.memory_space<hbm>>
      tpu.enqueue_dma source(%dma_start3A_199 : memref<256x1024xf32, #tpu.memory_space<hbm>>) target(%dma_start3A_195 : memref<256x1024xf32, #tpu.memory_space<vmem_shared>>) target_semaphore(%arg7 : memref<!tpu.dma_semaphore, #tpu.memory_space<semaphore_mem>>)
      %mul3A_200 = arith.constant 2 : i32
      %mul3A_201 = arith.muli %arg0, %mul3A_200 : i32
      %add3A_202 = arith.constant 0 : i32
      %add3A_203 = arith.addi %mul3A_201, %add3A_202 : i32
      %dma_wait3A_204 = arith.constant 0 : i32
      %dma_wait3A_205 = arith.constant 0 : i32
      %dma_wait3A_206 = arith.constant 0 : i32
      %dma_wait3A_207 = tpu.memref_slice %arg5[%dma_wait3A_204, %dma_wait3A_205, %dma_wait3A_206] : memref<2x256x1024xf32, #tpu.memory_space<vmem_shared>> -> memref<1x256x1024xf32, #tpu.memory_space<vmem_shared>>
      %dma_wait3A_208 = tpu.memref_squeeze %dma_wait3A_207 : memref<1x256x1024xf32, #tpu.memory_space<vmem_shared>> -> memref<256x1024xf32, #tpu.memory_space<vmem_shared>>
      %dma_wait3A_209 = arith.constant 2048 : i32
      %dma_wait3A_210 = arith.constant 0 : i32
      %dma_wait3A_211 = tpu.memref_slice %arg2[%add3A_159, %dma_wait3A_209, %dma_wait3A_210] : memref<4x4096x1024xf32, #tpu.memory_space<hbm>> -> memref<1x256x1024xf32, #tpu.memory_space<hbm>>
      %dma_wait3A_212 = tpu.memref_squeeze %dma_wait3A_211 : memref<1x256x1024xf32, #tpu.memory_space<hbm>> -> memref<256x1024xf32, #tpu.memory_space<hbm>>
      tpu.wait_dma2 semaphore(%arg6 : memref<!tpu.dma_semaphore, #tpu.memory_space<semaphore_mem>>) src(%dma_wait3A_212 : memref<256x1024xf32, #tpu.memory_space<hbm>>) dst(%dma_wait3A_208 : memref<256x1024xf32, #tpu.memory_space<vmem_shared>>)
      %dma_start3A_213 = arith.constant 0 : i32
      %dma_start3A_214 = arith.constant 0 : i32
      %dma_start3A_215 = arith.constant 0 : i32
      %dma_start3A_216 = tpu.memref_slice %arg5[%dma_start3A_213, %dma_start3A_214, %dma_start3A_215] : memref<2x256x1024xf32, #tpu.memory_space<vmem_shared>> -> memref<1x256x1024xf32, #tpu.memory_space<vmem_shared>>
      %dma_start3A_217 = tpu.memref_squeeze %dma_start3A_216 : memref<1x256x1024xf32, #tpu.memory_space<vmem_shared>> -> memref<256x1024xf32, #tpu.memory_space<vmem_shared>>
      %dma_start3A_218 = arith.constant 2560 : i32
      %dma_start3A_219 = arith.constant 0 : i32
      %dma_start3A_220 = tpu.memref_slice %arg2[%add3A_203, %dma_start3A_218, %dma_start3A_219] : memref<4x4096x1024xf32, #tpu.memory_space<hbm>> -> memref<1x256x1024xf32, #tpu.memory_space<hbm>>
      %dma_start3A_221 = tpu.memref_squeeze %dma_start3A_220 : memref<1x256x1024xf32, #tpu.memory_space<hbm>> -> memref<256x1024xf32, #tpu.memory_space<hbm>>
      tpu.enqueue_dma source(%dma_start3A_221 : memref<256x1024xf32, #tpu.memory_space<hbm>>) target(%dma_start3A_217 : memref<256x1024xf32, #tpu.memory_space<vmem_shared>>) target_semaphore(%arg6 : memref<!tpu.dma_semaphore, #tpu.memory_space<semaphore_mem>>)
      %mul3A_222 = arith.constant 2 : i32
      %mul3A_223 = arith.muli %arg0, %mul3A_222 : i32
      %add3A_224 = arith.constant 0 : i32
      %add3A_225 = arith.addi %mul3A_223, %add3A_224 : i32
      %dma_wait3A_226 = arith.constant 1 : i32
      %dma_wait3A_227 = arith.constant 0 : i32
      %dma_wait3A_228 = arith.constant 0 : i32
      %dma_wait3A_229 = tpu.memref_slice %arg5[%dma_wait3A_226, %dma_wait3A_227, %dma_wait3A_228] : memref<2x256x1024xf32, #tpu.memory_space<vmem_shared>> -> memref<1x256x1024xf32, #tpu.memory_space<vmem_shared>>
      %dma_wait3A_230 = tpu.memref_squeeze %dma_wait3A_229 : memref<1x256x1024xf32, #tpu.memory_space<vmem_shared>> -> memref<256x1024xf32, #tpu.memory_space<vmem_shared>>
      %dma_wait3A_231 = arith.constant 2304 : i32
      %dma_wait3A_232 = arith.constant 0 : i32
      %dma_wait3A_233 = tpu.memref_slice %arg2[%add3A_181, %dma_wait3A_231, %dma_wait3A_232] : memref<4x4096x1024xf32, #tpu.memory_space<hbm>> -> memref<1x256x1024xf32, #tpu.memory_space<hbm>>
      %dma_wait3A_234 = tpu.memref_squeeze %dma_wait3A_233 : memref<1x256x1024xf32, #tpu.memory_space<hbm>> -> memref<256x1024xf32, #tpu.memory_space<hbm>>
      tpu.wait_dma2 semaphore(%arg7 : memref<!tpu.dma_semaphore, #tpu.memory_space<semaphore_mem>>) src(%dma_wait3A_234 : memref<256x1024xf32, #tpu.memory_space<hbm>>) dst(%dma_wait3A_230 : memref<256x1024xf32, #tpu.memory_space<vmem_shared>>)
      %dma_start3A_235 = arith.constant 1 : i32
      %dma_start3A_236 = arith.constant 0 : i32
      %dma_start3A_237 = arith.constant 0 : i32
      %dma_start3A_238 = tpu.memref_slice %arg5[%dma_start3A_235, %dma_start3A_236, %dma_start3A_237] : memref<2x256x1024xf32, #tpu.memory_space<vmem_shared>> -> memref<1x256x1024xf32, #tpu.memory_space<vmem_shared>>
      %dma_start3A_239 = tpu.memref_squeeze %dma_start3A_238 : memref<1x256x1024xf32, #tpu.memory_space<vmem_shared>> -> memref<256x1024xf32, #tpu.memory_space<vmem_shared>>
      %dma_start3A_240 = arith.constant 2816 : i32
      %dma_start3A_241 = arith.constant 0 : i32
      %dma_start3A_242 = tpu.memref_slice %arg2[%add3A_225, %dma_start3A_240, %dma_start3A_241] : memref<4x4096x1024xf32, #tpu.memory_space<hbm>> -> memref<1x256x1024xf32, #tpu.memory_space<hbm>>
      %dma_start3A_243 = tpu.memref_squeeze %dma_start3A_242 : memref<1x256x1024xf32, #tpu.memory_space<hbm>> -> memref<256x1024xf32, #tpu.memory_space<hbm>>
      tpu.enqueue_dma source(%dma_start3A_243 : memref<256x1024xf32, #tpu.memory_space<hbm>>) target(%dma_start3A_239 : memref<256x1024xf32, #tpu.memory_space<vmem_shared>>) target_semaphore(%arg7 : memref<!tpu.dma_semaphore, #tpu.memory_space<semaphore_mem>>)
      %mul3A_244 = arith.constant 2 : i32
      %mul3A_245 = arith.muli %arg0, %mul3A_244 : i32
      %add3A_246 = arith.constant 0 : i32
      %add3A_247 = arith.addi %mul3A_245, %add3A_246 : i32
      %dma_wait3A_248 = arith.constant 0 : i32
      %dma_wait3A_249 = arith.constant 0 : i32
      %dma_wait3A_250 = arith.constant 0 : i32
      %dma_wait3A_251 = tpu.memref_slice %arg5[%dma_wait3A_248, %dma_wait3A_249, %dma_wait3A_250] : memref<2x256x1024xf32, #tpu.memory_space<vmem_shared>> -> memref<1x256x1024xf32, #tpu.memory_space<vmem_shared>>
      %dma_wait3A_252 = tpu.memref_squeeze %dma_wait3A_251 : memref<1x256x1024xf32, #tpu.memory_space<vmem_shared>> -> memref<256x1024xf32, #tpu.memory_space<vmem_shared>>
      %dma_wait3A_253 = arith.constant 2560 : i32
      %dma_wait3A_254 = arith.constant 0 : i32
      %dma_wait3A_255 = tpu.memref_slice %arg2[%add3A_203, %dma_wait3A_253, %dma_wait3A_254] : memref<4x4096x1024xf32, #tpu.memory_space<hbm>> -> memref<1x256x1024xf32, #tpu.memory_space<hbm>>
      %dma_wait3A_256 = tpu.memref_squeeze %dma_wait3A_255 : memref<1x256x1024xf32, #tpu.memory_space<hbm>> -> memref<256x1024xf32, #tpu.memory_space<hbm>>
      tpu.wait_dma2 semaphore(%arg6 : memref<!tpu.dma_semaphore, #tpu.memory_space<semaphore_mem>>) src(%dma_wait3A_256 : memref<256x1024xf32, #tpu.memory_space<hbm>>) dst(%dma_wait3A_252 : memref<256x1024xf32, #tpu.memory_space<vmem_shared>>)
      %dma_start3A_257 = arith.constant 0 : i32
      %dma_start3A_258 = arith.constant 0 : i32
      %dma_start3A_259 = arith.constant 0 : i32
      %dma_start3A_260 = tpu.memref_slice %arg5[%dma_start3A_257, %dma_start3A_258, %dma_start3A_259] : memref<2x256x1024xf32, #tpu.memory_space<vmem_shared>> -> memref<1x256x1024xf32, #tpu.memory_space<vmem_shared>>
      %dma_start3A_261 = tpu.memref_squeeze %dma_start3A_260 : memref<1x256x1024xf32, #tpu.memory_space<vmem_shared>> -> memref<256x1024xf32, #tpu.memory_space<vmem_shared>>
      %dma_start3A_262 = arith.constant 3072 : i32
      %dma_start3A_263 = arith.constant 0 : i32
      %dma_start3A_264 = tpu.memref_slice %arg2[%add3A_247, %dma_start3A_262, %dma_start3A_263] : memref<4x4096x1024xf32, #tpu.memory_space<hbm>> -> memref<1x256x1024xf32, #tpu.memory_space<hbm>>
      %dma_start3A_265 = tpu.memref_squeeze %dma_start3A_264 : memref<1x256x1024xf32, #tpu.memory_space<hbm>> -> memref<256x1024xf32, #tpu.memory_space<hbm>>
      tpu.enqueue_dma source(%dma_start3A_265 : memref<256x1024xf32, #tpu.memory_space<hbm>>) target(%dma_start3A_261 : memref<256x1024xf32, #tpu.memory_space<vmem_shared>>) target_semaphore(%arg6 : memref<!tpu.dma_semaphore, #tpu.memory_space<semaphore_mem>>)
      %mul3A_266 = arith.constant 2 : i32
      %mul3A_267 = arith.muli %arg0, %mul3A_266 : i32
      %add3A_268 = arith.constant 0 : i32
      %add3A_269 = arith.addi %mul3A_267, %add3A_268 : i32
      %dma_wait3A_270 = arith.constant 1 : i32
      %dma_wait3A_271 = arith.constant 0 : i32
      %dma_wait3A_272 = arith.constant 0 : i32
      %dma_wait3A_273 = tpu.memref_slice %arg5[%dma_wait3A_270, %dma_wait3A_271, %dma_wait3A_272] : memref<2x256x1024xf32, #tpu.memory_space<vmem_shared>> -> memref<1x256x1024xf32, #tpu.memory_space<vmem_shared>>
      %dma_wait3A_274 = tpu.memref_squeeze %dma_wait3A_273 : memref<1x256x1024xf32, #tpu.memory_space<vmem_shared>> -> memref<256x1024xf32, #tpu.memory_space<vmem_shared>>
      %dma_wait3A_275 = arith.constant 2816 : i32
      %dma_wait3A_276 = arith.constant 0 : i32
      %dma_wait3A_277 = tpu.memref_slice %arg2[%add3A_225, %dma_wait3A_275, %dma_wait3A_276] : memref<4x4096x1024xf32, #tpu.memory_space<hbm>> -> memref<1x256x1024xf32, #tpu.memory_space<hbm>>
      %dma_wait3A_278 = tpu.memref_squeeze %dma_wait3A_277 : memref<1x256x1024xf32, #tpu.memory_space<hbm>> -> memref<256x1024xf32, #tpu.memory_space<hbm>>
      tpu.wait_dma2 semaphore(%arg7 : memref<!tpu.dma_semaphore, #tpu.memory_space<semaphore_mem>>) src(%dma_wait3A_278 : memref<256x1024xf32, #tpu.memory_space<hbm>>) dst(%dma_wait3A_274 : memref<256x1024xf32, #tpu.memory_space<vmem_shared>>)
      %dma_start3A_279 = arith.constant 1 : i32
      %dma_start3A_280 = arith.constant 0 : i32
      %dma_start3A_281 = arith.constant 0 : i32
      %dma_start3A_282 = tpu.memref_slice %arg5[%dma_start3A_279, %dma_start3A_280, %dma_start3A_281] : memref<2x256x1024xf32, #tpu.memory_space<vmem_shared>> -> memref<1x256x1024xf32, #tpu.memory_space<vmem_shared>>
      %dma_start3A_283 = tpu.memref_squeeze %dma_start3A_282 : memref<1x256x1024xf32, #tpu.memory_space<vmem_shared>> -> memref<256x1024xf32, #tpu.memory_space<vmem_shared>>
      %dma_start3A_284 = arith.constant 3328 : i32
      %dma_start3A_285 = arith.constant 0 : i32
      %dma_start3A_286 = tpu.memref_slice %arg2[%add3A_269, %dma_start3A_284, %dma_start3A_285] : memref<4x4096x1024xf32, #tpu.memory_space<hbm>> -> memref<1x256x1024xf32, #tpu.memory_space<hbm>>
      %dma_start3A_287 = tpu.memref_squeeze %dma_start3A_286 : memref<1x256x1024xf32, #tpu.memory_space<hbm>> -> memref<256x1024xf32, #tpu.memory_space<hbm>>
      tpu.enqueue_dma source(%dma_start3A_287 : memref<256x1024xf32, #tpu.memory_space<hbm>>) target(%dma_start3A_283 : memref<256x1024xf32, #tpu.memory_space<vmem_shared>>) target_semaphore(%arg7 : memref<!tpu.dma_semaphore, #tpu.memory_space<semaphore_mem>>)
      %mul3A_288 = arith.constant 2 : i32
      %mul3A_289 = arith.muli %arg0, %mul3A_288 : i32
      %add3A_290 = arith.constant 0 : i32
      %add3A_291 = arith.addi %mul3A_289, %add3A_290 : i32
      %dma_wait3A_292 = arith.constant 0 : i32
      %dma_wait3A_293 = arith.constant 0 : i32
      %dma_wait3A_294 = arith.constant 0 : i32
      %dma_wait3A_295 = tpu.memref_slice %arg5[%dma_wait3A_292, %dma_wait3A_293, %dma_wait3A_294] : memref<2x256x1024xf32, #tpu.memory_space<vmem_shared>> -> memref<1x256x1024xf32, #tpu.memory_space<vmem_shared>>
      %dma_wait3A_296 = tpu.memref_squeeze %dma_wait3A_295 : memref<1x256x1024xf32, #tpu.memory_space<vmem_shared>> -> memref<256x1024xf32, #tpu.memory_space<vmem_shared>>
      %dma_wait3A_297 = arith.constant 3072 : i32
      %dma_wait3A_298 = arith.constant 0 : i32
      %dma_wait3A_299 = tpu.memref_slice %arg2[%add3A_247, %dma_wait3A_297, %dma_wait3A_298] : memref<4x4096x1024xf32, #tpu.memory_space<hbm>> -> memref<1x256x1024xf32, #tpu.memory_space<hbm>>
      %dma_wait3A_300 = tpu.memref_squeeze %dma_wait3A_299 : memref<1x256x1024xf32, #tpu.memory_space<hbm>> -> memref<256x1024xf32, #tpu.memory_space<hbm>>
      tpu.wait_dma2 semaphore(%arg6 : memref<!tpu.dma_semaphore, #tpu.memory_space<semaphore_mem>>) src(%dma_wait3A_300 : memref<256x1024xf32, #tpu.memory_space<hbm>>) dst(%dma_wait3A_296 : memref<256x1024xf32, #tpu.memory_space<vmem_shared>>)
      %dma_start3A_301 = arith.constant 0 : i32
      %dma_start3A_302 = arith.constant 0 : i32
      %dma_start3A_303 = arith.constant 0 : i32
      %dma_start3A_304 = tpu.memref_slice %arg5[%dma_start3A_301, %dma_start3A_302, %dma_start3A_303] : memref<2x256x1024xf32, #tpu.memory_space<vmem_shared>> -> memref<1x256x1024xf32, #tpu.memory_space<vmem_shared>>
      %dma_start3A_305 = tpu.memref_squeeze %dma_start3A_304 : memref<1x256x1024xf32, #tpu.memory_space<vmem_shared>> -> memref<256x1024xf32, #tpu.memory_space<vmem_shared>>
      %dma_start3A_306 = arith.constant 3584 : i32
      %dma_start3A_307 = arith.constant 0 : i32
      %dma_start3A_308 = tpu.memref_slice %arg2[%add3A_291, %dma_start3A_306, %dma_start3A_307] : memref<4x4096x1024xf32, #tpu.memory_space<hbm>> -> memref<1x256x1024xf32, #tpu.memory_space<hbm>>
      %dma_start3A_309 = tpu.memref_squeeze %dma_start3A_308 : memref<1x256x1024xf32, #tpu.memory_space<hbm>> -> memref<256x1024xf32, #tpu.memory_space<hbm>>
      tpu.enqueue_dma source(%dma_start3A_309 : memref<256x1024xf32, #tpu.memory_space<hbm>>) target(%dma_start3A_305 : memref<256x1024xf32, #tpu.memory_space<vmem_shared>>) target_semaphore(%arg6 : memref<!tpu.dma_semaphore, #tpu.memory_space<semaphore_mem>>)
      %mul3A_310 = arith.constant 2 : i32
      %mul3A_311 = arith.muli %arg0, %mul3A_310 : i32
      %add3A_312 = arith.constant 0 : i32
      %add3A_313 = arith.addi %mul3A_311, %add3A_312 : i32
      %dma_wait3A_314 = arith.constant 1 : i32
      %dma_wait3A_315 = arith.constant 0 : i32
      %dma_wait3A_316 = arith.constant 0 : i32
      %dma_wait3A_317 = tpu.memref_slice %arg5[%dma_wait3A_314, %dma_wait3A_315, %dma_wait3A_316] : memref<2x256x1024xf32, #tpu.memory_space<vmem_shared>> -> memref<1x256x1024xf32, #tpu.memory_space<vmem_shared>>
      %dma_wait3A_318 = tpu.memref_squeeze %dma_wait3A_317 : memref<1x256x1024xf32, #tpu.memory_space<vmem_shared>> -> memref<256x1024xf32, #tpu.memory_space<vmem_shared>>
      %dma_wait3A_319 = arith.constant 3328 : i32
      %dma_wait3A_320 = arith.constant 0 : i32
      %dma_wait3A_321 = tpu.memref_slice %arg2[%add3A_269, %dma_wait3A_319, %dma_wait3A_320] : memref<4x4096x1024xf32, #tpu.memory_space<hbm>> -> memref<1x256x1024xf32, #tpu.memory_space<hbm>>
      %dma_wait3A_322 = tpu.memref_squeeze %dma_wait3A_321 : memref<1x256x1024xf32, #tpu.memory_space<hbm>> -> memref<256x1024xf32, #tpu.memory_space<hbm>>
      tpu.wait_dma2 semaphore(%arg7 : memref<!tpu.dma_semaphore, #tpu.memory_space<semaphore_mem>>) src(%dma_wait3A_322 : memref<256x1024xf32, #tpu.memory_space<hbm>>) dst(%dma_wait3A_318 : memref<256x1024xf32, #tpu.memory_space<vmem_shared>>)
      %dma_start3A_323 = arith.constant 1 : i32
      %dma_start3A_324 = arith.constant 0 : i32
      %dma_start3A_325 = arith.constant 0 : i32
      %dma_start3A_326 = tpu.memref_slice %arg5[%dma_start3A_323, %dma_start3A_324, %dma_start3A_325] : memref<2x256x1024xf32, #tpu.memory_space<vmem_shared>> -> memref<1x256x1024xf32, #tpu.memory_space<vmem_shared>>
      %dma_start3A_327 = tpu.memref_squeeze %dma_start3A_326 : memref<1x256x1024xf32, #tpu.memory_space<vmem_shared>> -> memref<256x1024xf32, #tpu.memory_space<vmem_shared>>
      %dma_start3A_328 = arith.constant 3840 : i32
      %dma_start3A_329 = arith.constant 0 : i32
      %dma_start3A_330 = tpu.memref_slice %arg2[%add3A_313, %dma_start3A_328, %dma_start3A_329] : memref<4x4096x1024xf32, #tpu.memory_space<hbm>> -> memref<1x256x1024xf32, #tpu.memory_space<hbm>>
      %dma_start3A_331 = tpu.memref_squeeze %dma_start3A_330 : memref<1x256x1024xf32, #tpu.memory_space<hbm>> -> memref<256x1024xf32, #tpu.memory_space<hbm>>
      tpu.enqueue_dma source(%dma_start3A_331 : memref<256x1024xf32, #tpu.memory_space<hbm>>) target(%dma_start3A_327 : memref<256x1024xf32, #tpu.memory_space<vmem_shared>>) target_semaphore(%arg7 : memref<!tpu.dma_semaphore, #tpu.memory_space<semaphore_mem>>)
      %mul3A_332 = arith.constant 2 : i32
      %mul3A_333 = arith.muli %arg0, %mul3A_332 : i32
      %add3A_334 = arith.constant 1 : i32
      %add3A_335 = arith.addi %mul3A_333, %add3A_334 : i32
      %dma_wait3A_336 = arith.constant 0 : i32
      %dma_wait3A_337 = arith.constant 0 : i32
      %dma_wait3A_338 = arith.constant 0 : i32
      %dma_wait3A_339 = tpu.memref_slice %arg5[%dma_wait3A_336, %dma_wait3A_337, %dma_wait3A_338] : memref<2x256x1024xf32, #tpu.memory_space<vmem_shared>> -> memref<1x256x1024xf32, #tpu.memory_space<vmem_shared>>
      %dma_wait3A_340 = tpu.memref_squeeze %dma_wait3A_339 : memref<1x256x1024xf32, #tpu.memory_space<vmem_shared>> -> memref<256x1024xf32, #tpu.memory_space<vmem_shared>>
      %dma_wait3A_341 = arith.constant 3584 : i32
      %dma_wait3A_342 = arith.constant 0 : i32
      %dma_wait3A_343 = tpu.memref_slice %arg2[%add3A_291, %dma_wait3A_341, %dma_wait3A_342] : memref<4x4096x1024xf32, #tpu.memory_space<hbm>> -> memref<1x256x1024xf32, #tpu.memory_space<hbm>>
      %dma_wait3A_344 = tpu.memref_squeeze %dma_wait3A_343 : memref<1x256x1024xf32, #tpu.memory_space<hbm>> -> memref<256x1024xf32, #tpu.memory_space<hbm>>
      tpu.wait_dma2 semaphore(%arg6 : memref<!tpu.dma_semaphore, #tpu.memory_space<semaphore_mem>>) src(%dma_wait3A_344 : memref<256x1024xf32, #tpu.memory_space<hbm>>) dst(%dma_wait3A_340 : memref<256x1024xf32, #tpu.memory_space<vmem_shared>>)
      %dma_start3A_345 = arith.constant 0 : i32
      %dma_start3A_346 = arith.constant 0 : i32
      %dma_start3A_347 = arith.constant 0 : i32
      %dma_start3A_348 = tpu.memref_slice %arg5[%dma_start3A_345, %dma_start3A_346, %dma_start3A_347] : memref<2x256x1024xf32, #tpu.memory_space<vmem_shared>> -> memref<1x256x1024xf32, #tpu.memory_space<vmem_shared>>
      %dma_start3A_349 = tpu.memref_squeeze %dma_start3A_348 : memref<1x256x1024xf32, #tpu.memory_space<vmem_shared>> -> memref<256x1024xf32, #tpu.memory_space<vmem_shared>>
      %dma_start3A_350 = arith.constant 0 : i32
      %dma_start3A_351 = arith.constant 0 : i32
      %dma_start3A_352 = tpu.memref_slice %arg2[%add3A_335, %dma_start3A_350, %dma_start3A_351] : memref<4x4096x1024xf32, #tpu.memory_space<hbm>> -> memref<1x256x1024xf32, #tpu.memory_space<hbm>>
      %dma_start3A_353 = tpu.memref_squeeze %dma_start3A_352 : memref<1x256x1024xf32, #tpu.memory_space<hbm>> -> memref<256x1024xf32, #tpu.memory_space<hbm>>
      tpu.enqueue_dma source(%dma_start3A_353 : memref<256x1024xf32, #tpu.memory_space<hbm>>) target(%dma_start3A_349 : memref<256x1024xf32, #tpu.memory_space<vmem_shared>>) target_semaphore(%arg6 : memref<!tpu.dma_semaphore, #tpu.memory_space<semaphore_mem>>)
      %mul3A_354 = arith.constant 2 : i32
      %mul3A_355 = arith.muli %arg0, %mul3A_354 : i32
      %add3A_356 = arith.constant 1 : i32
      %add3A_357 = arith.addi %mul3A_355, %add3A_356 : i32
      %dma_wait3A_358 = arith.constant 1 : i32
      %dma_wait3A_359 = arith.constant 0 : i32
      %dma_wait3A_360 = arith.constant 0 : i32
      %dma_wait3A_361 = tpu.memref_slice %arg5[%dma_wait3A_358, %dma_wait3A_359, %dma_wait3A_360] : memref<2x256x1024xf32, #tpu.memory_space<vmem_shared>> -> memref<1x256x1024xf32, #tpu.memory_space<vmem_shared>>
      %dma_wait3A_362 = tpu.memref_squeeze %dma_wait3A_361 : memref<1x256x1024xf32, #tpu.memory_space<vmem_shared>> -> memref<256x1024xf32, #tpu.memory_space<vmem_shared>>
      %dma_wait3A_363 = arith.constant 3840 : i32
      %dma_wait3A_364 = arith.constant 0 : i32
      %dma_wait3A_365 = tpu.memref_slice %arg2[%add3A_313, %dma_wait3A_363, %dma_wait3A_364] : memref<4x4096x1024xf32, #tpu.memory_space<hbm>> -> memref<1x256x1024xf32, #tpu.memory_space<hbm>>
      %dma_wait3A_366 = tpu.memref_squeeze %dma_wait3A_365 : memref<1x256x1024xf32, #tpu.memory_space<hbm>> -> memref<256x1024xf32, #tpu.memory_space<hbm>>
      tpu.wait_dma2 semaphore(%arg7 : memref<!tpu.dma_semaphore, #tpu.memory_space<semaphore_mem>>) src(%dma_wait3A_366 : memref<256x1024xf32, #tpu.memory_space<hbm>>) dst(%dma_wait3A_362 : memref<256x1024xf32, #tpu.memory_space<vmem_shared>>)
      %dma_start3A_367 = arith.constant 1 : i32
      %dma_start3A_368 = arith.constant 0 : i32
      %dma_start3A_369 = arith.constant 0 : i32
      %dma_start3A_370 = tpu.memref_slice %arg5[%dma_start3A_367, %dma_start3A_368, %dma_start3A_369] : memref<2x256x1024xf32, #tpu.memory_space<vmem_shared>> -> memref<1x256x1024xf32, #tpu.memory_space<vmem_shared>>
      %dma_start3A_371 = tpu.memref_squeeze %dma_start3A_370 : memref<1x256x1024xf32, #tpu.memory_space<vmem_shared>> -> memref<256x1024xf32, #tpu.memory_space<vmem_shared>>
      %dma_start3A_372 = arith.constant 256 : i32
      %dma_start3A_373 = arith.constant 0 : i32
      %dma_start3A_374 = tpu.memref_slice %arg2[%add3A_357, %dma_start3A_372, %dma_start3A_373] : memref<4x4096x1024xf32, #tpu.memory_space<hbm>> -> memref<1x256x1024xf32, #tpu.memory_space<hbm>>
      %dma_start3A_375 = tpu.memref_squeeze %dma_start3A_374 : memref<1x256x1024xf32, #tpu.memory_space<hbm>> -> memref<256x1024xf32, #tpu.memory_space<hbm>>
      tpu.enqueue_dma source(%dma_start3A_375 : memref<256x1024xf32, #tpu.memory_space<hbm>>) target(%dma_start3A_371 : memref<256x1024xf32, #tpu.memory_space<vmem_shared>>) target_semaphore(%arg7 : memref<!tpu.dma_semaphore, #tpu.memory_space<semaphore_mem>>)
      %mul3A_376 = arith.constant 2 : i32
      %mul3A_377 = arith.muli %arg0, %mul3A_376 : i32
      %add3A_378 = arith.constant 1 : i32
      %add3A_379 = arith.addi %mul3A_377, %add3A_378 : i32
      %dma_wait3A_380 = arith.constant 0 : i32
      %dma_wait3A_381 = arith.constant 0 : i32
      %dma_wait3A_382 = arith.constant 0 : i32
      %dma_wait3A_383 = tpu.memref_slice %arg5[%dma_wait3A_380, %dma_wait3A_381, %dma_wait3A_382] : memref<2x256x1024xf32, #tpu.memory_space<vmem_shared>> -> memref<1x256x1024xf32, #tpu.memory_space<vmem_shared>>
      %dma_wait3A_384 = tpu.memref_squeeze %dma_wait3A_383 : memref<1x256x1024xf32, #tpu.memory_space<vmem_shared>> -> memref<256x1024xf32, #tpu.memory_space<vmem_shared>>
      %dma_wait3A_385 = arith.constant 0 : i32
      %dma_wait3A_386 = arith.constant 0 : i32
      %dma_wait3A_387 = tpu.memref_slice %arg2[%add3A_335, %dma_wait3A_385, %dma_wait3A_386] : memref<4x4096x1024xf32, #tpu.memory_space<hbm>> -> memref<1x256x1024xf32, #tpu.memory_space<hbm>>
      %dma_wait3A_388 = tpu.memref_squeeze %dma_wait3A_387 : memref<1x256x1024xf32, #tpu.memory_space<hbm>> -> memref<256x1024xf32, #tpu.memory_space<hbm>>
      tpu.wait_dma2 semaphore(%arg6 : memref<!tpu.dma_semaphore, #tpu.memory_space<semaphore_mem>>) src(%dma_wait3A_388 : memref<256x1024xf32, #tpu.memory_space<hbm>>) dst(%dma_wait3A_384 : memref<256x1024xf32, #tpu.memory_space<vmem_shared>>)
      %dma_start3A_389 = arith.constant 0 : i32
      %dma_start3A_390 = arith.constant 0 : i32
      %dma_start3A_391 = arith.constant 0 : i32
      %dma_start3A_392 = tpu.memref_slice %arg5[%dma_start3A_389, %dma_start3A_390, %dma_start3A_391] : memref<2x256x1024xf32, #tpu.memory_space<vmem_shared>> -> memref<1x256x1024xf32, #tpu.memory_space<vmem_shared>>
      %dma_start3A_393 = tpu.memref_squeeze %dma_start3A_392 : memref<1x256x1024xf32, #tpu.memory_space<vmem_shared>> -> memref<256x1024xf32, #tpu.memory_space<vmem_shared>>
      %dma_start3A_394 = arith.constant 512 : i32
      %dma_start3A_395 = arith.constant 0 : i32
      %dma_start3A_396 = tpu.memref_slice %arg2[%add3A_379, %dma_start3A_394, %dma_start3A_395] : memref<4x4096x1024xf32, #tpu.memory_space<hbm>> -> memref<1x256x1024xf32, #tpu.memory_space<hbm>>
      %dma_start3A_397 = tpu.memref_squeeze %dma_start3A_396 : memref<1x256x1024xf32, #tpu.memory_space<hbm>> -> memref<256x1024xf32, #tpu.memory_space<hbm>>
      tpu.enqueue_dma source(%dma_start3A_397 : memref<256x1024xf32, #tpu.memory_space<hbm>>) target(%dma_start3A_393 : memref<256x1024xf32, #tpu.memory_space<vmem_shared>>) target_semaphore(%arg6 : memref<!tpu.dma_semaphore, #tpu.memory_space<semaphore_mem>>)
      %mul3A_398 = arith.constant 2 : i32
      %mul3A_399 = arith.muli %arg0, %mul3A_398 : i32
      %add3A_400 = arith.constant 1 : i32
      %add3A_401 = arith.addi %mul3A_399, %add3A_400 : i32
      %dma_wait3A_402 = arith.constant 1 : i32
      %dma_wait3A_403 = arith.constant 0 : i32
      %dma_wait3A_404 = arith.constant 0 : i32
      %dma_wait3A_405 = tpu.memref_slice %arg5[%dma_wait3A_402, %dma_wait3A_403, %dma_wait3A_404] : memref<2x256x1024xf32, #tpu.memory_space<vmem_shared>> -> memref<1x256x1024xf32, #tpu.memory_space<vmem_shared>>
      %dma_wait3A_406 = tpu.memref_squeeze %dma_wait3A_405 : memref<1x256x1024xf32, #tpu.memory_space<vmem_shared>> -> memref<256x1024xf32, #tpu.memory_space<vmem_shared>>
      %dma_wait3A_407 = arith.constant 256 : i32
      %dma_wait3A_408 = arith.constant 0 : i32
      %dma_wait3A_409 = tpu.memref_slice %arg2[%add3A_357, %dma_wait3A_407, %dma_wait3A_408] : memref<4x4096x1024xf32, #tpu.memory_space<hbm>> -> memref<1x256x1024xf32, #tpu.memory_space<hbm>>
      %dma_wait3A_410 = tpu.memref_squeeze %dma_wait3A_409 : memref<1x256x1024xf32, #tpu.memory_space<hbm>> -> memref<256x1024xf32, #tpu.memory_space<hbm>>
      tpu.wait_dma2 semaphore(%arg7 : memref<!tpu.dma_semaphore, #tpu.memory_space<semaphore_mem>>) src(%dma_wait3A_410 : memref<256x1024xf32, #tpu.memory_space<hbm>>) dst(%dma_wait3A_406 : memref<256x1024xf32, #tpu.memory_space<vmem_shared>>)
      %dma_start3A_411 = arith.constant 1 : i32
      %dma_start3A_412 = arith.constant 0 : i32
      %dma_start3A_413 = arith.constant 0 : i32
      %dma_start3A_414 = tpu.memref_slice %arg5[%dma_start3A_411, %dma_start3A_412, %dma_start3A_413] : memref<2x256x1024xf32, #tpu.memory_space<vmem_shared>> -> memref<1x256x1024xf32, #tpu.memory_space<vmem_shared>>
      %dma_start3A_415 = tpu.memref_squeeze %dma_start3A_414 : memref<1x256x1024xf32, #tpu.memory_space<vmem_shared>> -> memref<256x1024xf32, #tpu.memory_space<vmem_shared>>
      %dma_start3A_416 = arith.constant 768 : i32
      %dma_start3A_417 = arith.constant 0 : i32
      %dma_start3A_418 = tpu.memref_slice %arg2[%add3A_401, %dma_start3A_416, %dma_start3A_417] : memref<4x4096x1024xf32, #tpu.memory_space<hbm>> -> memref<1x256x1024xf32, #tpu.memory_space<hbm>>
      %dma_start3A_419 = tpu.memref_squeeze %dma_start3A_418 : memref<1x256x1024xf32, #tpu.memory_space<hbm>> -> memref<256x1024xf32, #tpu.memory_space<hbm>>
      tpu.enqueue_dma source(%dma_start3A_419 : memref<256x1024xf32, #tpu.memory_space<hbm>>) target(%dma_start3A_415 : memref<256x1024xf32, #tpu.memory_space<vmem_shared>>) target_semaphore(%arg7 : memref<!tpu.dma_semaphore, #tpu.memory_space<semaphore_mem>>)
      %mul3A_420 = arith.constant 2 : i32
      %mul3A_421 = arith.muli %arg0, %mul3A_420 : i32
      %add3A_422 = arith.constant 1 : i32
      %add3A_423 = arith.addi %mul3A_421, %add3A_422 : i32
      %dma_wait3A_424 = arith.constant 0 : i32
      %dma_wait3A_425 = arith.constant 0 : i32
      %dma_wait3A_426 = arith.constant 0 : i32
      %dma_wait3A_427 = tpu.memref_slice %arg5[%dma_wait3A_424, %dma_wait3A_425, %dma_wait3A_426] : memref<2x256x1024xf32, #tpu.memory_space<vmem_shared>> -> memref<1x256x1024xf32, #tpu.memory_space<vmem_shared>>
      %dma_wait3A_428 = tpu.memref_squeeze %dma_wait3A_427 : memref<1x256x1024xf32, #tpu.memory_space<vmem_shared>> -> memref<256x1024xf32, #tpu.memory_space<vmem_shared>>
      %dma_wait3A_429 = arith.constant 512 : i32
      %dma_wait3A_430 = arith.constant 0 : i32
      %dma_wait3A_431 = tpu.memref_slice %arg2[%add3A_379, %dma_wait3A_429, %dma_wait3A_430] : memref<4x4096x1024xf32, #tpu.memory_space<hbm>> -> memref<1x256x1024xf32, #tpu.memory_space<hbm>>
      %dma_wait3A_432 = tpu.memref_squeeze %dma_wait3A_431 : memref<1x256x1024xf32, #tpu.memory_space<hbm>> -> memref<256x1024xf32, #tpu.memory_space<hbm>>
      tpu.wait_dma2 semaphore(%arg6 : memref<!tpu.dma_semaphore, #tpu.memory_space<semaphore_mem>>) src(%dma_wait3A_432 : memref<256x1024xf32, #tpu.memory_space<hbm>>) dst(%dma_wait3A_428 : memref<256x1024xf32, #tpu.memory_space<vmem_shared>>)
      %dma_start3A_433 = arith.constant 0 : i32
      %dma_start3A_434 = arith.constant 0 : i32
      %dma_start3A_435 = arith.constant 0 : i32
      %dma_start3A_436 = tpu.memref_slice %arg5[%dma_start3A_433, %dma_start3A_434, %dma_start3A_435] : memref<2x256x1024xf32, #tpu.memory_space<vmem_shared>> -> memref<1x256x1024xf32, #tpu.memory_space<vmem_shared>>
      %dma_start3A_437 = tpu.memref_squeeze %dma_start3A_436 : memref<1x256x1024xf32, #tpu.memory_space<vmem_shared>> -> memref<256x1024xf32, #tpu.memory_space<vmem_shared>>
      %dma_start3A_438 = arith.constant 1024 : i32
      %dma_start3A_439 = arith.constant 0 : i32
      %dma_start3A_440 = tpu.memref_slice %arg2[%add3A_423, %dma_start3A_438, %dma_start3A_439] : memref<4x4096x1024xf32, #tpu.memory_space<hbm>> -> memref<1x256x1024xf32, #tpu.memory_space<hbm>>
      %dma_start3A_441 = tpu.memref_squeeze %dma_start3A_440 : memref<1x256x1024xf32, #tpu.memory_space<hbm>> -> memref<256x1024xf32, #tpu.memory_space<hbm>>
      tpu.enqueue_dma source(%dma_start3A_441 : memref<256x1024xf32, #tpu.memory_space<hbm>>) target(%dma_start3A_437 : memref<256x1024xf32, #tpu.memory_space<vmem_shared>>) target_semaphore(%arg6 : memref<!tpu.dma_semaphore, #tpu.memory_space<semaphore_mem>>)
      %mul3A_442 = arith.constant 2 : i32
      %mul3A_443 = arith.muli %arg0, %mul3A_442 : i32
      %add3A_444 = arith.constant 1 : i32
      %add3A_445 = arith.addi %mul3A_443, %add3A_444 : i32
      %dma_wait3A_446 = arith.constant 1 : i32
      %dma_wait3A_447 = arith.constant 0 : i32
      %dma_wait3A_448 = arith.constant 0 : i32
      %dma_wait3A_449 = tpu.memref_slice %arg5[%dma_wait3A_446, %dma_wait3A_447, %dma_wait3A_448] : memref<2x256x1024xf32, #tpu.memory_space<vmem_shared>> -> memref<1x256x1024xf32, #tpu.memory_space<vmem_shared>>
      %dma_wait3A_450 = tpu.memref_squeeze %dma_wait3A_449 : memref<1x256x1024xf32, #tpu.memory_space<vmem_shared>> -> memref<256x1024xf32, #tpu.memory_space<vmem_shared>>
      %dma_wait3A_451 = arith.constant 768 : i32
      %dma_wait3A_452 = arith.constant 0 : i32
      %dma_wait3A_453 = tpu.memref_slice %arg2[%add3A_401, %dma_wait3A_451, %dma_wait3A_452] : memref<4x4096x1024xf32, #tpu.memory_space<hbm>> -> memref<1x256x1024xf32, #tpu.memory_space<hbm>>
      %dma_wait3A_454 = tpu.memref_squeeze %dma_wait3A_453 : memref<1x256x1024xf32, #tpu.memory_space<hbm>> -> memref<256x1024xf32, #tpu.memory_space<hbm>>
      tpu.wait_dma2 semaphore(%arg7 : memref<!tpu.dma_semaphore, #tpu.memory_space<semaphore_mem>>) src(%dma_wait3A_454 : memref<256x1024xf32, #tpu.memory_space<hbm>>) dst(%dma_wait3A_450 : memref<256x1024xf32, #tpu.memory_space<vmem_shared>>)
      %dma_start3A_455 = arith.constant 1 : i32
      %dma_start3A_456 = arith.constant 0 : i32
      %dma_start3A_457 = arith.constant 0 : i32
      %dma_start3A_458 = tpu.memref_slice %arg5[%dma_start3A_455, %dma_start3A_456, %dma_start3A_457] : memref<2x256x1024xf32, #tpu.memory_space<vmem_shared>> -> memref<1x256x1024xf32, #tpu.memory_space<vmem_shared>>
      %dma_start3A_459 = tpu.memref_squeeze %dma_start3A_458 : memref<1x256x1024xf32, #tpu.memory_space<vmem_shared>> -> memref<256x1024xf32, #tpu.memory_space<vmem_shared>>
      %dma_start3A_460 = arith.constant 1280 : i32
      %dma_start3A_461 = arith.constant 0 : i32
      %dma_start3A_462 = tpu.memref_slice %arg2[%add3A_445, %dma_start3A_460, %dma_start3A_461] : memref<4x4096x1024xf32, #tpu.memory_space<hbm>> -> memref<1x256x1024xf32, #tpu.memory_space<hbm>>
      %dma_start3A_463 = tpu.memref_squeeze %dma_start3A_462 : memref<1x256x1024xf32, #tpu.memory_space<hbm>> -> memref<256x1024xf32, #tpu.memory_space<hbm>>
      tpu.enqueue_dma source(%dma_start3A_463 : memref<256x1024xf32, #tpu.memory_space<hbm>>) target(%dma_start3A_459 : memref<256x1024xf32, #tpu.memory_space<vmem_shared>>) target_semaphore(%arg7 : memref<!tpu.dma_semaphore, #tpu.memory_space<semaphore_mem>>)
      %mul3A_464 = arith.constant 2 : i32
      %mul3A_465 = arith.muli %arg0, %mul3A_464 : i32
      %add3A_466 = arith.constant 1 : i32
      %add3A_467 = arith.addi %mul3A_465, %add3A_466 : i32
      %dma_wait3A_468 = arith.constant 0 : i32
      %dma_wait3A_469 = arith.constant 0 : i32
      %dma_wait3A_470 = arith.constant 0 : i32
      %dma_wait3A_471 = tpu.memref_slice %arg5[%dma_wait3A_468, %dma_wait3A_469, %dma_wait3A_470] : memref<2x256x1024xf32, #tpu.memory_space<vmem_shared>> -> memref<1x256x1024xf32, #tpu.memory_space<vmem_shared>>
      %dma_wait3A_472 = tpu.memref_squeeze %dma_wait3A_471 : memref<1x256x1024xf32, #tpu.memory_space<vmem_shared>> -> memref<256x1024xf32, #tpu.memory_space<vmem_shared>>
      %dma_wait3A_473 = arith.constant 1024 : i32
      %dma_wait3A_474 = arith.constant 0 : i32
      %dma_wait3A_475 = tpu.memref_slice %arg2[%add3A_423, %dma_wait3A_473, %dma_wait3A_474] : memref<4x4096x1024xf32, #tpu.memory_space<hbm>> -> memref<1x256x1024xf32, #tpu.memory_space<hbm>>
      %dma_wait3A_476 = tpu.memref_squeeze %dma_wait3A_475 : memref<1x256x1024xf32, #tpu.memory_space<hbm>> -> memref<256x1024xf32, #tpu.memory_space<hbm>>
      tpu.wait_dma2 semaphore(%arg6 : memref<!tpu.dma_semaphore, #tpu.memory_space<semaphore_mem>>) src(%dma_wait3A_476 : memref<256x1024xf32, #tpu.memory_space<hbm>>) dst(%dma_wait3A_472 : memref<256x1024xf32, #tpu.memory_space<vmem_shared>>)
      %dma_start3A_477 = arith.constant 0 : i32
      %dma_start3A_478 = arith.constant 0 : i32
      %dma_start3A_479 = arith.constant 0 : i32
      %dma_start3A_480 = tpu.memref_slice %arg5[%dma_start3A_477, %dma_start3A_478, %dma_start3A_479] : memref<2x256x1024xf32, #tpu.memory_space<vmem_shared>> -> memref<1x256x1024xf32, #tpu.memory_space<vmem_shared>>
      %dma_start3A_481 = tpu.memref_squeeze %dma_start3A_480 : memref<1x256x1024xf32, #tpu.memory_space<vmem_shared>> -> memref<256x1024xf32, #tpu.memory_space<vmem_shared>>
      %dma_start3A_482 = arith.constant 1536 : i32
      %dma_start3A_483 = arith.constant 0 : i32
      %dma_start3A_484 = tpu.memref_slice %arg2[%add3A_467, %dma_start3A_482, %dma_start3A_483] : memref<4x4096x1024xf32, #tpu.memory_space<hbm>> -> memref<1x256x1024xf32, #tpu.memory_space<hbm>>
      %dma_start3A_485 = tpu.memref_squeeze %dma_start3A_484 : memref<1x256x1024xf32, #tpu.memory_space<hbm>> -> memref<256x1024xf32, #tpu.memory_space<hbm>>
      tpu.enqueue_dma source(%dma_start3A_485 : memref<256x1024xf32, #tpu.memory_space<hbm>>) target(%dma_start3A_481 : memref<256x1024xf32, #tpu.memory_space<vmem_shared>>) target_semaphore(%arg6 : memref<!tpu.dma_semaphore, #tpu.memory_space<semaphore_mem>>)
      %mul3A_486 = arith.constant 2 : i32
      %mul3A_487 = arith.muli %arg0, %mul3A_486 : i32
      %add3A_488 = arith.constant 1 : i32
      %add3A_489 = arith.addi %mul3A_487, %add3A_488 : i32
      %dma_wait3A_490 = arith.constant 1 : i32
      %dma_wait3A_491 = arith.constant 0 : i32
      %dma_wait3A_492 = arith.constant 0 : i32
      %dma_wait3A_493 = tpu.memref_slice %arg5[%dma_wait3A_490, %dma_wait3A_491, %dma_wait3A_492] : memref<2x256x1024xf32, #tpu.memory_space<vmem_shared>> -> memref<1x256x1024xf32, #tpu.memory_space<vmem_shared>>
      %dma_wait3A_494 = tpu.memref_squeeze %dma_wait3A_493 : memref<1x256x1024xf32, #tpu.memory_space<vmem_shared>> -> memref<256x1024xf32, #tpu.memory_space<vmem_shared>>
      %dma_wait3A_495 = arith.constant 1280 : i32
      %dma_wait3A_496 = arith.constant 0 : i32
      %dma_wait3A_497 = tpu.memref_slice %arg2[%add3A_445, %dma_wait3A_495, %dma_wait3A_496] : memref<4x4096x1024xf32, #tpu.memory_space<hbm>> -> memref<1x256x1024xf32, #tpu.memory_space<hbm>>
      %dma_wait3A_498 = tpu.memref_squeeze %dma_wait3A_497 : memref<1x256x1024xf32, #tpu.memory_space<hbm>> -> memref<256x1024xf32, #tpu.memory_space<hbm>>
      tpu.wait_dma2 semaphore(%arg7 : memref<!tpu.dma_semaphore, #tpu.memory_space<semaphore_mem>>) src(%dma_wait3A_498 : memref<256x1024xf32, #tpu.memory_space<hbm>>) dst(%dma_wait3A_494 : memref<256x1024xf32, #tpu.memory_space<vmem_shared>>)
      %dma_start3A_499 = arith.constant 1 : i32
      %dma_start3A_500 = arith.constant 0 : i32
      %dma_start3A_501 = arith.constant 0 : i32
      %dma_start3A_502 = tpu.memref_slice %arg5[%dma_start3A_499, %dma_start3A_500, %dma_start3A_501] : memref<2x256x1024xf32, #tpu.memory_space<vmem_shared>> -> memref<1x256x1024xf32, #tpu.memory_space<vmem_shared>>
      %dma_start3A_503 = tpu.memref_squeeze %dma_start3A_502 : memref<1x256x1024xf32, #tpu.memory_space<vmem_shared>> -> memref<256x1024xf32, #tpu.memory_space<vmem_shared>>
      %dma_start3A_504 = arith.constant 1792 : i32
      %dma_start3A_505 = arith.constant 0 : i32
      %dma_start3A_506 = tpu.memref_slice %arg2[%add3A_489, %dma_start3A_504, %dma_start3A_505] : memref<4x4096x1024xf32, #tpu.memory_space<hbm>> -> memref<1x256x1024xf32, #tpu.memory_space<hbm>>
      %dma_start3A_507 = tpu.memref_squeeze %dma_start3A_506 : memref<1x256x1024xf32, #tpu.memory_space<hbm>> -> memref<256x1024xf32, #tpu.memory_space<hbm>>
      tpu.enqueue_dma source(%dma_start3A_507 : memref<256x1024xf32, #tpu.memory_space<hbm>>) target(%dma_start3A_503 : memref<256x1024xf32, #tpu.memory_space<vmem_shared>>) target_semaphore(%arg7 : memref<!tpu.dma_semaphore, #tpu.memory_space<semaphore_mem>>)
      %mul3A_508 = arith.constant 2 : i32
      %mul3A_509 = arith.muli %arg0, %mul3A_508 : i32
      %add3A_510 = arith.constant 1 : i32
      %add3A_511 = arith.addi %mul3A_509, %add3A_510 : i32
      %dma_wait3A_512 = arith.constant 0 : i32
      %dma_wait3A_513 = arith.constant 0 : i32
      %dma_wait3A_514 = arith.constant 0 : i32
      %dma_wait3A_515 = tpu.memref_slice %arg5[%dma_wait3A_512, %dma_wait3A_513, %dma_wait3A_514] : memref<2x256x1024xf32, #tpu.memory_space<vmem_shared>> -> memref<1x256x1024xf32, #tpu.memory_space<vmem_shared>>
      %dma_wait3A_516 = tpu.memref_squeeze %dma_wait3A_515 : memref<1x256x1024xf32, #tpu.memory_space<vmem_shared>> -> memref<256x1024xf32, #tpu.memory_space<vmem_shared>>
      %dma_wait3A_517 = arith.constant 1536 : i32
      %dma_wait3A_518 = arith.constant 0 : i32
      %dma_wait3A_519 = tpu.memref_slice %arg2[%add3A_467, %dma_wait3A_517, %dma_wait3A_518] : memref<4x4096x1024xf32, #tpu.memory_space<hbm>> -> memref<1x256x1024xf32, #tpu.memory_space<hbm>>
      %dma_wait3A_520 = tpu.memref_squeeze %dma_wait3A_519 : memref<1x256x1024xf32, #tpu.memory_space<hbm>> -> memref<256x1024xf32, #tpu.memory_space<hbm>>
      tpu.wait_dma2 semaphore(%arg6 : memref<!tpu.dma_semaphore, #tpu.memory_space<semaphore_mem>>) src(%dma_wait3A_520 : memref<256x1024xf32, #tpu.memory_space<hbm>>) dst(%dma_wait3A_516 : memref<256x1024xf32, #tpu.memory_space<vmem_shared>>)
      %dma_start3A_521 = arith.constant 0 : i32
      %dma_start3A_522 = arith.constant 0 : i32
      %dma_start3A_523 = arith.constant 0 : i32
      %dma_start3A_524 = tpu.memref_slice %arg5[%dma_start3A_521, %dma_start3A_522, %dma_start3A_523] : memref<2x256x1024xf32, #tpu.memory_space<vmem_shared>> -> memref<1x256x1024xf32, #tpu.memory_space<vmem_shared>>
      %dma_start3A_525 = tpu.memref_squeeze %dma_start3A_524 : memref<1x256x1024xf32, #tpu.memory_space<vmem_shared>> -> memref<256x1024xf32, #tpu.memory_space<vmem_shared>>
      %dma_start3A_526 = arith.constant 2048 : i32
      %dma_start3A_527 = arith.constant 0 : i32
      %dma_start3A_528 = tpu.memref_slice %arg2[%add3A_511, %dma_start3A_526, %dma_start3A_527] : memref<4x4096x1024xf32, #tpu.memory_space<hbm>> -> memref<1x256x1024xf32, #tpu.memory_space<hbm>>
      %dma_start3A_529 = tpu.memref_squeeze %dma_start3A_528 : memref<1x256x1024xf32, #tpu.memory_space<hbm>> -> memref<256x1024xf32, #tpu.memory_space<hbm>>
      tpu.enqueue_dma source(%dma_start3A_529 : memref<256x1024xf32, #tpu.memory_space<hbm>>) target(%dma_start3A_525 : memref<256x1024xf32, #tpu.memory_space<vmem_shared>>) target_semaphore(%arg6 : memref<!tpu.dma_semaphore, #tpu.memory_space<semaphore_mem>>)
      %mul3A_530 = arith.constant 2 : i32
      %mul3A_531 = arith.muli %arg0, %mul3A_530 : i32
      %add3A_532 = arith.constant 1 : i32
      %add3A_533 = arith.addi %mul3A_531, %add3A_532 : i32
      %dma_wait3A_534 = arith.constant 1 : i32
      %dma_wait3A_535 = arith.constant 0 : i32
      %dma_wait3A_536 = arith.constant 0 : i32
      %dma_wait3A_537 = tpu.memref_slice %arg5[%dma_wait3A_534, %dma_wait3A_535, %dma_wait3A_536] : memref<2x256x1024xf32, #tpu.memory_space<vmem_shared>> -> memref<1x256x1024xf32, #tpu.memory_space<vmem_shared>>
      %dma_wait3A_538 = tpu.memref_squeeze %dma_wait3A_537 : memref<1x256x1024xf32, #tpu.memory_space<vmem_shared>> -> memref<256x1024xf32, #tpu.memory_space<vmem_shared>>
      %dma_wait3A_539 = arith.constant 1792 : i32
      %dma_wait3A_540 = arith.constant 0 : i32
      %dma_wait3A_541 = tpu.memref_slice %arg2[%add3A_489, %dma_wait3A_539, %dma_wait3A_540] : memref<4x4096x1024xf32, #tpu.memory_space<hbm>> -> memref<1x256x1024xf32, #tpu.memory_space<hbm>>
      %dma_wait3A_542 = tpu.memref_squeeze %dma_wait3A_541 : memref<1x256x1024xf32, #tpu.memory_space<hbm>> -> memref<256x1024xf32, #tpu.memory_space<hbm>>
      tpu.wait_dma2 semaphore(%arg7 : memref<!tpu.dma_semaphore, #tpu.memory_space<semaphore_mem>>) src(%dma_wait3A_542 : memref<256x1024xf32, #tpu.memory_space<hbm>>) dst(%dma_wait3A_538 : memref<256x1024xf32, #tpu.memory_space<vmem_shared>>)
      %dma_start3A_543 = arith.constant 1 : i32
      %dma_start3A_544 = arith.constant 0 : i32
      %dma_start3A_545 = arith.constant 0 : i32
      %dma_start3A_546 = tpu.memref_slice %arg5[%dma_start3A_543, %dma_start3A_544, %dma_start3A_545] : memref<2x256x1024xf32, #tpu.memory_space<vmem_shared>> -> memref<1x256x1024xf32, #tpu.memory_space<vmem_shared>>
      %dma_start3A_547 = tpu.memref_squeeze %dma_start3A_546 : memref<1x256x1024xf32, #tpu.memory_space<vmem_shared>> -> memref<256x1024xf32, #tpu.memory_space<vmem_shared>>
      %dma_start3A_548 = arith.constant 2304 : i32
      %dma_start3A_549 = arith.constant 0 : i32
      %dma_start3A_550 = tpu.memref_slice %arg2[%add3A_533, %dma_start3A_548, %dma_start3A_549] : memref<4x4096x1024xf32, #tpu.memory_space<hbm>> -> memref<1x256x1024xf32, #tpu.memory_space<hbm>>
      %dma_start3A_551 = tpu.memref_squeeze %dma_start3A_550 : memref<1x256x1024xf32, #tpu.memory_space<hbm>> -> memref<256x1024xf32, #tpu.memory_space<hbm>>
      tpu.enqueue_dma source(%dma_start3A_551 : memref<256x1024xf32, #tpu.memory_space<hbm>>) target(%dma_start3A_547 : memref<256x1024xf32, #tpu.memory_space<vmem_shared>>) target_semaphore(%arg7 : memref<!tpu.dma_semaphore, #tpu.memory_space<semaphore_mem>>)
      %mul3A_552 = arith.constant 2 : i32
      %mul3A_553 = arith.muli %arg0, %mul3A_552 : i32
      %add3A_554 = arith.constant 1 : i32
      %add3A_555 = arith.addi %mul3A_553, %add3A_554 : i32
      %dma_wait3A_556 = arith.constant 0 : i32
      %dma_wait3A_557 = arith.constant 0 : i32
      %dma_wait3A_558 = arith.constant 0 : i32
      %dma_wait3A_559 = tpu.memref_slice %arg5[%dma_wait3A_556, %dma_wait3A_557, %dma_wait3A_558] : memref<2x256x1024xf32, #tpu.memory_space<vmem_shared>> -> memref<1x256x1024xf32, #tpu.memory_space<vmem_shared>>
      %dma_wait3A_560 = tpu.memref_squeeze %dma_wait3A_559 : memref<1x256x1024xf32, #tpu.memory_space<vmem_shared>> -> memref<256x1024xf32, #tpu.memory_space<vmem_shared>>
      %dma_wait3A_561 = arith.constant 2048 : i32
      %dma_wait3A_562 = arith.constant 0 : i32
      %dma_wait3A_563 = tpu.memref_slice %arg2[%add3A_511, %dma_wait3A_561, %dma_wait3A_562] : memref<4x4096x1024xf32, #tpu.memory_space<hbm>> -> memref<1x256x1024xf32, #tpu.memory_space<hbm>>
      %dma_wait3A_564 = tpu.memref_squeeze %dma_wait3A_563 : memref<1x256x1024xf32, #tpu.memory_space<hbm>> -> memref<256x1024xf32, #tpu.memory_space<hbm>>
      tpu.wait_dma2 semaphore(%arg6 : memref<!tpu.dma_semaphore, #tpu.memory_space<semaphore_mem>>) src(%dma_wait3A_564 : memref<256x1024xf32, #tpu.memory_space<hbm>>) dst(%dma_wait3A_560 : memref<256x1024xf32, #tpu.memory_space<vmem_shared>>)
      %dma_start3A_565 = arith.constant 0 : i32
      %dma_start3A_566 = arith.constant 0 : i32
      %dma_start3A_567 = arith.constant 0 : i32
      %dma_start3A_568 = tpu.memref_slice %arg5[%dma_start3A_565, %dma_start3A_566, %dma_start3A_567] : memref<2x256x1024xf32, #tpu.memory_space<vmem_shared>> -> memref<1x256x1024xf32, #tpu.memory_space<vmem_shared>>
      %dma_start3A_569 = tpu.memref_squeeze %dma_start3A_568 : memref<1x256x1024xf32, #tpu.memory_space<vmem_shared>> -> memref<256x1024xf32, #tpu.memory_space<vmem_shared>>
      %dma_start3A_570 = arith.constant 2560 : i32
      %dma_start3A_571 = arith.constant 0 : i32
      %dma_start3A_572 = tpu.memref_slice %arg2[%add3A_555, %dma_start3A_570, %dma_start3A_571] : memref<4x4096x1024xf32, #tpu.memory_space<hbm>> -> memref<1x256x1024xf32, #tpu.memory_space<hbm>>
      %dma_start3A_573 = tpu.memref_squeeze %dma_start3A_572 : memref<1x256x1024xf32, #tpu.memory_space<hbm>> -> memref<256x1024xf32, #tpu.memory_space<hbm>>
      tpu.enqueue_dma source(%dma_start3A_573 : memref<256x1024xf32, #tpu.memory_space<hbm>>) target(%dma_start3A_569 : memref<256x1024xf32, #tpu.memory_space<vmem_shared>>) target_semaphore(%arg6 : memref<!tpu.dma_semaphore, #tpu.memory_space<semaphore_mem>>)
      %mul3A_574 = arith.constant 2 : i32
      %mul3A_575 = arith.muli %arg0, %mul3A_574 : i32
      %add3A_576 = arith.constant 1 : i32
      %add3A_577 = arith.addi %mul3A_575, %add3A_576 : i32
      %dma_wait3A_578 = arith.constant 1 : i32
      %dma_wait3A_579 = arith.constant 0 : i32
      %dma_wait3A_580 = arith.constant 0 : i32
      %dma_wait3A_581 = tpu.memref_slice %arg5[%dma_wait3A_578, %dma_wait3A_579, %dma_wait3A_580] : memref<2x256x1024xf32, #tpu.memory_space<vmem_shared>> -> memref<1x256x1024xf32, #tpu.memory_space<vmem_shared>>
      %dma_wait3A_582 = tpu.memref_squeeze %dma_wait3A_581 : memref<1x256x1024xf32, #tpu.memory_space<vmem_shared>> -> memref<256x1024xf32, #tpu.memory_space<vmem_shared>>
      %dma_wait3A_583 = arith.constant 2304 : i32
      %dma_wait3A_584 = arith.constant 0 : i32
      %dma_wait3A_585 = tpu.memref_slice %arg2[%add3A_533, %dma_wait3A_583, %dma_wait3A_584] : memref<4x4096x1024xf32, #tpu.memory_space<hbm>> -> memref<1x256x1024xf32, #tpu.memory_space<hbm>>
      %dma_wait3A_586 = tpu.memref_squeeze %dma_wait3A_585 : memref<1x256x1024xf32, #tpu.memory_space<hbm>> -> memref<256x1024xf32, #tpu.memory_space<hbm>>
      tpu.wait_dma2 semaphore(%arg7 : memref<!tpu.dma_semaphore, #tpu.memory_space<semaphore_mem>>) src(%dma_wait3A_586 : memref<256x1024xf32, #tpu.memory_space<hbm>>) dst(%dma_wait3A_582 : memref<256x1024xf32, #tpu.memory_space<vmem_shared>>)
      %dma_start3A_587 = arith.constant 1 : i32
      %dma_start3A_588 = arith.constant 0 : i32
      %dma_start3A_589 = arith.constant 0 : i32
      %dma_start3A_590 = tpu.memref_slice %arg5[%dma_start3A_587, %dma_start3A_588, %dma_start3A_589] : memref<2x256x1024xf32, #tpu.memory_space<vmem_shared>> -> memref<1x256x1024xf32, #tpu.memory_space<vmem_shared>>
      %dma_start3A_591 = tpu.memref_squeeze %dma_start3A_590 : memref<1x256x1024xf32, #tpu.memory_space<vmem_shared>> -> memref<256x1024xf32, #tpu.memory_space<vmem_shared>>
      %dma_start3A_592 = arith.constant 2816 : i32
      %dma_start3A_593 = arith.constant 0 : i32
      %dma_start3A_594 = tpu.memref_slice %arg2[%add3A_577, %dma_start3A_592, %dma_start3A_593] : memref<4x4096x1024xf32, #tpu.memory_space<hbm>> -> memref<1x256x1024xf32, #tpu.memory_space<hbm>>
      %dma_start3A_595 = tpu.memref_squeeze %dma_start3A_594 : memref<1x256x1024xf32, #tpu.memory_space<hbm>> -> memref<256x1024xf32, #tpu.memory_space<hbm>>
      tpu.enqueue_dma source(%dma_start3A_595 : memref<256x1024xf32, #tpu.memory_space<hbm>>) target(%dma_start3A_591 : memref<256x1024xf32, #tpu.memory_space<vmem_shared>>) target_semaphore(%arg7 : memref<!tpu.dma_semaphore, #tpu.memory_space<semaphore_mem>>)
      %mul3A_596 = arith.constant 2 : i32
      %mul3A_597 = arith.muli %arg0, %mul3A_596 : i32
      %add3A_598 = arith.constant 1 : i32
      %add3A_599 = arith.addi %mul3A_597, %add3A_598 : i32
      %dma_wait3A_600 = arith.constant 0 : i32
      %dma_wait3A_601 = arith.constant 0 : i32
      %dma_wait3A_602 = arith.constant 0 : i32
      %dma_wait3A_603 = tpu.memref_slice %arg5[%dma_wait3A_600, %dma_wait3A_601, %dma_wait3A_602] : memref<2x256x1024xf32, #tpu.memory_space<vmem_shared>> -> memref<1x256x1024xf32, #tpu.memory_space<vmem_shared>>
      %dma_wait3A_604 = tpu.memref_squeeze %dma_wait3A_603 : memref<1x256x1024xf32, #tpu.memory_space<vmem_shared>> -> memref<256x1024xf32, #tpu.memory_space<vmem_shared>>
      %dma_wait3A_605 = arith.constant 2560 : i32
      %dma_wait3A_606 = arith.constant 0 : i32
      %dma_wait3A_607 = tpu.memref_slice %arg2[%add3A_555, %dma_wait3A_605, %dma_wait3A_606] : memref<4x4096x1024xf32, #tpu.memory_space<hbm>> -> memref<1x256x1024xf32, #tpu.memory_space<hbm>>
      %dma_wait3A_608 = tpu.memref_squeeze %dma_wait3A_607 : memref<1x256x1024xf32, #tpu.memory_space<hbm>> -> memref<256x1024xf32, #tpu.memory_space<hbm>>
      tpu.wait_dma2 semaphore(%arg6 : memref<!tpu.dma_semaphore, #tpu.memory_space<semaphore_mem>>) src(%dma_wait3A_608 : memref<256x1024xf32, #tpu.memory_space<hbm>>) dst(%dma_wait3A_604 : memref<256x1024xf32, #tpu.memory_space<vmem_shared>>)
      %dma_start3A_609 = arith.constant 0 : i32
      %dma_start3A_610 = arith.constant 0 : i32
      %dma_start3A_611 = arith.constant 0 : i32
      %dma_start3A_612 = tpu.memref_slice %arg5[%dma_start3A_609, %dma_start3A_610, %dma_start3A_611] : memref<2x256x1024xf32, #tpu.memory_space<vmem_shared>> -> memref<1x256x1024xf32, #tpu.memory_space<vmem_shared>>
      %dma_start3A_613 = tpu.memref_squeeze %dma_start3A_612 : memref<1x256x1024xf32, #tpu.memory_space<vmem_shared>> -> memref<256x1024xf32, #tpu.memory_space<vmem_shared>>
      %dma_start3A_614 = arith.constant 3072 : i32
      %dma_start3A_615 = arith.constant 0 : i32
      %dma_start3A_616 = tpu.memref_slice %arg2[%add3A_599, %dma_start3A_614, %dma_start3A_615] : memref<4x4096x1024xf32, #tpu.memory_space<hbm>> -> memref<1x256x1024xf32, #tpu.memory_space<hbm>>
      %dma_start3A_617 = tpu.memref_squeeze %dma_start3A_616 : memref<1x256x1024xf32, #tpu.memory_space<hbm>> -> memref<256x1024xf32, #tpu.memory_space<hbm>>
      tpu.enqueue_dma source(%dma_start3A_617 : memref<256x1024xf32, #tpu.memory_space<hbm>>) target(%dma_start3A_613 : memref<256x1024xf32, #tpu.memory_space<vmem_shared>>) target_semaphore(%arg6 : memref<!tpu.dma_semaphore, #tpu.memory_space<semaphore_mem>>)
      %mul3A_618 = arith.constant 2 : i32
      %mul3A_619 = arith.muli %arg0, %mul3A_618 : i32
      %add3A_620 = arith.constant 1 : i32
      %add3A_621 = arith.addi %mul3A_619, %add3A_620 : i32
      %dma_wait3A_622 = arith.constant 1 : i32
      %dma_wait3A_623 = arith.constant 0 : i32
      %dma_wait3A_624 = arith.constant 0 : i32
      %dma_wait3A_625 = tpu.memref_slice %arg5[%dma_wait3A_622, %dma_wait3A_623, %dma_wait3A_624] : memref<2x256x1024xf32, #tpu.memory_space<vmem_shared>> -> memref<1x256x1024xf32, #tpu.memory_space<vmem_shared>>
      %dma_wait3A_626 = tpu.memref_squeeze %dma_wait3A_625 : memref<1x256x1024xf32, #tpu.memory_space<vmem_shared>> -> memref<256x1024xf32, #tpu.memory_space<vmem_shared>>
      %dma_wait3A_627 = arith.constant 2816 : i32
      %dma_wait3A_628 = arith.constant 0 : i32
      %dma_wait3A_629 = tpu.memref_slice %arg2[%add3A_577, %dma_wait3A_627, %dma_wait3A_628] : memref<4x4096x1024xf32, #tpu.memory_space<hbm>> -> memref<1x256x1024xf32, #tpu.memory_space<hbm>>
      %dma_wait3A_630 = tpu.memref_squeeze %dma_wait3A_629 : memref<1x256x1024xf32, #tpu.memory_space<hbm>> -> memref<256x1024xf32, #tpu.memory_space<hbm>>
      tpu.wait_dma2 semaphore(%arg7 : memref<!tpu.dma_semaphore, #tpu.memory_space<semaphore_mem>>) src(%dma_wait3A_630 : memref<256x1024xf32, #tpu.memory_space<hbm>>) dst(%dma_wait3A_626 : memref<256x1024xf32, #tpu.memory_space<vmem_shared>>)
      %dma_start3A_631 = arith.constant 1 : i32
      %dma_start3A_632 = arith.constant 0 : i32
      %dma_start3A_633 = arith.constant 0 : i32
      %dma_start3A_634 = tpu.memref_slice %arg5[%dma_start3A_631, %dma_start3A_632, %dma_start3A_633] : memref<2x256x1024xf32, #tpu.memory_space<vmem_shared>> -> memref<1x256x1024xf32, #tpu.memory_space<vmem_shared>>
      %dma_start3A_635 = tpu.memref_squeeze %dma_start3A_634 : memref<1x256x1024xf32, #tpu.memory_space<vmem_shared>> -> memref<256x1024xf32, #tpu.memory_space<vmem_shared>>
      %dma_start3A_636 = arith.constant 3328 : i32
      %dma_start3A_637 = arith.constant 0 : i32
      %dma_start3A_638 = tpu.memref_slice %arg2[%add3A_621, %dma_start3A_636, %dma_start3A_637] : memref<4x4096x1024xf32, #tpu.memory_space<hbm>> -> memref<1x256x1024xf32, #tpu.memory_space<hbm>>
      %dma_start3A_639 = tpu.memref_squeeze %dma_start3A_638 : memref<1x256x1024xf32, #tpu.memory_space<hbm>> -> memref<256x1024xf32, #tpu.memory_space<hbm>>
      tpu.enqueue_dma source(%dma_start3A_639 : memref<256x1024xf32, #tpu.memory_space<hbm>>) target(%dma_start3A_635 : memref<256x1024xf32, #tpu.memory_space<vmem_shared>>) target_semaphore(%arg7 : memref<!tpu.dma_semaphore, #tpu.memory_space<semaphore_mem>>)
      %mul3A_640 = arith.constant 2 : i32
      %mul3A_641 = arith.muli %arg0, %mul3A_640 : i32
      %add3A_642 = arith.constant 1 : i32
      %add3A_643 = arith.addi %mul3A_641, %add3A_642 : i32
      %dma_wait3A_644 = arith.constant 0 : i32
      %dma_wait3A_645 = arith.constant 0 : i32
      %dma_wait3A_646 = arith.constant 0 : i32
      %dma_wait3A_647 = tpu.memref_slice %arg5[%dma_wait3A_644, %dma_wait3A_645, %dma_wait3A_646] : memref<2x256x1024xf32, #tpu.memory_space<vmem_shared>> -> memref<1x256x1024xf32, #tpu.memory_space<vmem_shared>>
      %dma_wait3A_648 = tpu.memref_squeeze %dma_wait3A_647 : memref<1x256x1024xf32, #tpu.memory_space<vmem_shared>> -> memref<256x1024xf32, #tpu.memory_space<vmem_shared>>
      %dma_wait3A_649 = arith.constant 3072 : i32
      %dma_wait3A_650 = arith.constant 0 : i32
      %dma_wait3A_651 = tpu.memref_slice %arg2[%add3A_599, %dma_wait3A_649, %dma_wait3A_650] : memref<4x4096x1024xf32, #tpu.memory_space<hbm>> -> memref<1x256x1024xf32, #tpu.memory_space<hbm>>
      %dma_wait3A_652 = tpu.memref_squeeze %dma_wait3A_651 : memref<1x256x1024xf32, #tpu.memory_space<hbm>> -> memref<256x1024xf32, #tpu.memory_space<hbm>>
      tpu.wait_dma2 semaphore(%arg6 : memref<!tpu.dma_semaphore, #tpu.memory_space<semaphore_mem>>) src(%dma_wait3A_652 : memref<256x1024xf32, #tpu.memory_space<hbm>>) dst(%dma_wait3A_648 : memref<256x1024xf32, #tpu.memory_space<vmem_shared>>)
      %dma_start3A_653 = arith.constant 0 : i32
      %dma_start3A_654 = arith.constant 0 : i32
      %dma_start3A_655 = arith.constant 0 : i32
      %dma_start3A_656 = tpu.memref_slice %arg5[%dma_start3A_653, %dma_start3A_654, %dma_start3A_655] : memref<2x256x1024xf32, #tpu.memory_space<vmem_shared>> -> memref<1x256x1024xf32, #tpu.memory_space<vmem_shared>>
      %dma_start3A_657 = tpu.memref_squeeze %dma_start3A_656 : memref<1x256x1024xf32, #tpu.memory_space<vmem_shared>> -> memref<256x1024xf32, #tpu.memory_space<vmem_shared>>
      %dma_start3A_658 = arith.constant 3584 : i32
      %dma_start3A_659 = arith.constant 0 : i32
      %dma_start3A_660 = tpu.memref_slice %arg2[%add3A_643, %dma_start3A_658, %dma_start3A_659] : memref<4x4096x1024xf32, #tpu.memory_space<hbm>> -> memref<1x256x1024xf32, #tpu.memory_space<hbm>>
      %dma_start3A_661 = tpu.memref_squeeze %dma_start3A_660 : memref<1x256x1024xf32, #tpu.memory_space<hbm>> -> memref<256x1024xf32, #tpu.memory_space<hbm>>
      tpu.enqueue_dma source(%dma_start3A_661 : memref<256x1024xf32, #tpu.memory_space<hbm>>) target(%dma_start3A_657 : memref<256x1024xf32, #tpu.memory_space<vmem_shared>>) target_semaphore(%arg6 : memref<!tpu.dma_semaphore, #tpu.memory_space<semaphore_mem>>)
      %mul3A_662 = arith.constant 2 : i32
      %mul3A_663 = arith.muli %arg0, %mul3A_662 : i32
      %add3A_664 = arith.constant 1 : i32
      %add3A_665 = arith.addi %mul3A_663, %add3A_664 : i32
      %dma_wait3A_666 = arith.constant 1 : i32
      %dma_wait3A_667 = arith.constant 0 : i32
      %dma_wait3A_668 = arith.constant 0 : i32
      %dma_wait3A_669 = tpu.memref_slice %arg5[%dma_wait3A_666, %dma_wait3A_667, %dma_wait3A_668] : memref<2x256x1024xf32, #tpu.memory_space<vmem_shared>> -> memref<1x256x1024xf32, #tpu.memory_space<vmem_shared>>
      %dma_wait3A_670 = tpu.memref_squeeze %dma_wait3A_669 : memref<1x256x1024xf32, #tpu.memory_space<vmem_shared>> -> memref<256x1024xf32, #tpu.memory_space<vmem_shared>>
      %dma_wait3A_671 = arith.constant 3328 : i32
      %dma_wait3A_672 = arith.constant 0 : i32
      %dma_wait3A_673 = tpu.memref_slice %arg2[%add3A_621, %dma_wait3A_671, %dma_wait3A_672] : memref<4x4096x1024xf32, #tpu.memory_space<hbm>> -> memref<1x256x1024xf32, #tpu.memory_space<hbm>>
      %dma_wait3A_674 = tpu.memref_squeeze %dma_wait3A_673 : memref<1x256x1024xf32, #tpu.memory_space<hbm>> -> memref<256x1024xf32, #tpu.memory_space<hbm>>
      tpu.wait_dma2 semaphore(%arg7 : memref<!tpu.dma_semaphore, #tpu.memory_space<semaphore_mem>>) src(%dma_wait3A_674 : memref<256x1024xf32, #tpu.memory_space<hbm>>) dst(%dma_wait3A_670 : memref<256x1024xf32, #tpu.memory_space<vmem_shared>>)
      %dma_start3A_675 = arith.constant 1 : i32
      %dma_start3A_676 = arith.constant 0 : i32
      %dma_start3A_677 = arith.constant 0 : i32
      %dma_start3A_678 = tpu.memref_slice %arg5[%dma_start3A_675, %dma_start3A_676, %dma_start3A_677] : memref<2x256x1024xf32, #tpu.memory_space<vmem_shared>> -> memref<1x256x1024xf32, #tpu.memory_space<vmem_shared>>
      %dma_start3A_679 = tpu.memref_squeeze %dma_start3A_678 : memref<1x256x1024xf32, #tpu.memory_space<vmem_shared>> -> memref<256x1024xf32, #tpu.memory_space<vmem_shared>>
      %dma_start3A_680 = arith.constant 3840 : i32
      %dma_start3A_681 = arith.constant 0 : i32
      %dma_start3A_682 = tpu.memref_slice %arg2[%add3A_665, %dma_start3A_680, %dma_start3A_681] : memref<4x4096x1024xf32, #tpu.memory_space<hbm>> -> memref<1x256x1024xf32, #tpu.memory_space<hbm>>
      %dma_start3A_683 = tpu.memref_squeeze %dma_start3A_682 : memref<1x256x1024xf32, #tpu.memory_space<hbm>> -> memref<256x1024xf32, #tpu.memory_space<hbm>>
      tpu.enqueue_dma source(%dma_start3A_683 : memref<256x1024xf32, #tpu.memory_space<hbm>>) target(%dma_start3A_679 : memref<256x1024xf32, #tpu.memory_space<vmem_shared>>) target_semaphore(%arg7 : memref<!tpu.dma_semaphore, #tpu.memory_space<semaphore_mem>>)
      %dma_wait3A_684 = arith.constant 0 : i32
      %dma_wait3A_685 = arith.constant 0 : i32
      %dma_wait3A_686 = arith.constant 0 : i32
      %dma_wait3A_687 = tpu.memref_slice %arg5[%dma_wait3A_684, %dma_wait3A_685, %dma_wait3A_686] : memref<2x256x1024xf32, #tpu.memory_space<vmem_shared>> -> memref<1x256x1024xf32, #tpu.memory_space<vmem_shared>>
      %dma_wait3A_688 = tpu.memref_squeeze %dma_wait3A_687 : memref<1x256x1024xf32, #tpu.memory_space<vmem_shared>> -> memref<256x1024xf32, #tpu.memory_space<vmem_shared>>
      %dma_wait3A_689 = arith.constant 3584 : i32
      %dma_wait3A_690 = arith.constant 0 : i32
      %dma_wait3A_691 = tpu.memref_slice %arg2[%add3A_643, %dma_wait3A_689, %dma_wait3A_690] : memref<4x4096x1024xf32, #tpu.memory_space<hbm>> -> memref<1x256x1024xf32, #tpu.memory_space<hbm>>
      %dma_wait3A_692 = tpu.memref_squeeze %dma_wait3A_691 : memref<1x256x1024xf32, #tpu.memory_space<hbm>> -> memref<256x1024xf32, #tpu.memory_space<hbm>>
      tpu.wait_dma2 semaphore(%arg6 : memref<!tpu.dma_semaphore, #tpu.memory_space<semaphore_mem>>) src(%dma_wait3A_692 : memref<256x1024xf32, #tpu.memory_space<hbm>>) dst(%dma_wait3A_688 : memref<256x1024xf32, #tpu.memory_space<vmem_shared>>)
      %dma_wait3A_693 = arith.constant 1 : i32
      %dma_wait3A_694 = arith.constant 0 : i32
      %dma_wait3A_695 = arith.constant 0 : i32
      %dma_wait3A_696 = tpu.memref_slice %arg5[%dma_wait3A_693, %dma_wait3A_694, %dma_wait3A_695] : memref<2x256x1024xf32, #tpu.memory_space<vmem_shared>> -> memref<1x256x1024xf32, #tpu.memory_space<vmem_shared>>
      %dma_wait3A_697 = tpu.memref_squeeze %dma_wait3A_696 : memref<1x256x1024xf32, #tpu.memory_space<vmem_shared>> -> memref<256x1024xf32, #tpu.memory_space<vmem_shared>>
      %dma_wait3A_698 = arith.constant 3840 : i32
      %dma_wait3A_699 = arith.constant 0 : i32
      %dma_wait3A_700 = tpu.memref_slice %arg2[%add3A_665, %dma_wait3A_698, %dma_wait3A_699] : memref<4x4096x1024xf32, #tpu.memory_space<hbm>> -> memref<1x256x1024xf32, #tpu.memory_space<hbm>>
      %dma_wait3A_701 = tpu.memref_squeeze %dma_wait3A_700 : memref<1x256x1024xf32, #tpu.memory_space<hbm>> -> memref<256x1024xf32, #tpu.memory_space<hbm>>
      tpu.wait_dma2 semaphore(%arg7 : memref<!tpu.dma_semaphore, #tpu.memory_space<semaphore_mem>>) src(%dma_wait3A_701 : memref<256x1024xf32, #tpu.memory_space<hbm>>) dst(%dma_wait3A_697 : memref<256x1024xf32, #tpu.memory_space<vmem_shared>>)
    } else {
    }
    return
  }
}

</mosaic_0001>

<sc_bundles>
// kernel: kernel.3.cloned.1.call-start
scs
__scs_entry_jumppad:
0x0: {  	(pc) =	sbr.rel $0x88, $3  }
0x1: {  	(tag) =	ssettag $0x0;
	lr =	simm.s32 $0x1  }
0x2: {  	[smem:$0x3F9F] =	sst lr;
	_ =	strace $0xD0000000  }
0x3: {  	_ = 	snop  }
0x4: {  	_ = 	snop  }
0x5: {  	_ = 	snop  }
0x6: {  	_ = 	snop  }
0x7: {  	_ = 	snop  }
__scs_overlays_trampoline_lowered:
0x8: {  	[smem:$0x3FAE] =	sst s0  }
0x9: {  	[smem:$0x3FAF] =	sst s1  }
0xa: {  	[smem:$0x3FB0] =	sst s2  }
0xb: {  	[smem:$0x3FB1] =	sst s3  }
0xc: {  	[smem:$0x3FB2] =	sst s4  }
0xd: {  	[smem:$0x3FB3] =	sst s5  }
0xe: {  	[smem:$0x3FB4] =	sst s6  }
0xf: {  	[smem:$0x3FB5] =	sst s7  }
0x10: {  	[smem:$0x3FB6] =	sst s8  }
0x11: {  	[smem:$0x3FB7] =	sst s9;
	s0 =	simm.s32 @!p0 $0x0  }
0x12: {  	s1 =	sld [smem:$0x3F9D];
	s0 =	simm.s32 @p0 $0x1  }
0x13: {  	[smem:$0x3FB8] =	sst s0;
	s0 =	simm.s32 @!p1 $0x0  }
0x14: {  	s2 =	sld [smem:$0x3F9C];
	s0 =	simm.s32 @p1 $0x1  }
0x15: {  	[smem:$0x3FB9] =	sst s0;
	s0 =	simm.s32 @!p2 $0x0  }
0x16: {  	s3 =	sld [smem:$0x3FDB];
	s0 =	simm.s32 @p2 $0x1  }
0x17: {  	s4 =	simm.s32 $0x1BF5;
	[smem:$0x3FBB] =	sst s0  }
0x18: {  	s0 =	sld [smem:$0x3F9E];
	_ =	swait.ge [sflag:s4], $0x0  }
0x19: {  	s7 =	sld [smem:$0x3F9F]  }
0x1a: {  	s8 =	sadd.s32 $0xFFFFE003, lr  }
0x1b: {  	s9 =	sadd.s32 $0xFFFFFEF7, lr;
	s5 =	simm.s32 $0xFFFFFFFF;
	p2 =	slt.u32 s8, $0xFFFFF086  }
0x1c: {  	p1 =	slt.u32 s9, $0xF7A;
	s5 =	simm.s32 @!p2 $0x0  }
0x1d: {  	s5 =	simm.s32 @p1 $0x1;
	p0 =	seq.s32 s7, s2  }
0x1e: {  	s7 =	smul.u32 @!p0 $0xF7A, s2;
	p2 =	seq.s32 @!p0 s5, $0x0  }
0x1f: {  	s9 =	smul.u32 $0xF7A, s1;
	s8 =	simm.s32 @!p0 $0x1BF5;
	p2 =	por !p2, p0  }
0x20: {  	[sflag:s8] =	ssyncset.s32 @!p0 $0xFFFFF086;
	s6 =	sadd.s32 @!p0 s3, s7;
	s7 =	simm.s32 @!p0 $0x108  }
0x21: {  	s3 =	sadd.s32 s3, s9;
	s6 =	sadd.s32 @!p0 $0x88, s6;
	s7 =	simm.s32 @p2 $0x1082  }
0x22: {  	[simem:s7], [sflag:s8] =	dma.local @!p0 [hbm:s6], $0xF7A  }
0x23: {  	s9 =	sor.u32 $0xD0000000, s2;
	s6 =	simm.s32 $0x108;
	_ =	swait.ge @!p0 [sflag:s8], $0x0  }
0x24: {  	s3 =	sadd.s32 $0x88, s3;
	s6 =	simm.s32 @!p1 $0x1082;
	[sflag:s4] =	ssyncset.s32 $0xFFFFF086  }
0x25: {  	[simem:s6], [sflag:s4] =	dma.local [hbm:s3], $0xF7A  }
0x26: {  	[smem:$0x3F9F] =	sst s1;
	(tag) =	ssettag s2;
	_ =	strace s9  }
0x27: {  	s1 =	sld [smem:$0x3FAF]  }
0x28: {  	s2 =	sld [smem:$0x3FB0]  }
0x29: {  	s4 =	sld [smem:$0x3FB2]  }
0x2a: {  	p0 =	seq.s32 s5, $0x0;
	s5 =	sld [smem:$0x3FB3]  }
0x2b: {  	s6 =	sld [smem:$0x3FB4]  }
0x2c: {  	s7 =	sld [smem:$0x3FB5]  }
0x2d: {  	s3 =	simm.s32 $0x108;
	s8 =	sld [smem:$0x3FB6]  }
0x2e: {  	s3 =	simm.s32 @!p0 $0x1082;
	s9 =	sld [smem:$0x3FB7]  }
0x2f: {  	lr =	sadd.s32 s0, s3;
	s0 =	sld [smem:$0x3FAE]  }
0x30: {  	s3 =	sld [smem:$0x3FB1]  }
0x31: {  	[smem:$0x3FBA] =	sst s10  }
0x32: {  	s10 =	sld [smem:$0x3FB8];
	_ =	sdelay $0x3  }
0x33: {  	p0 =	seq.s32 s10, $0x1;
	s10 =	sld [smem:$0x3FBA];
	_ =	sdelay $0x3  }
0x34: {  	[smem:$0x3FBA] =	sst s10  }
0x35: {  	s10 =	sld [smem:$0x3FB9];
	_ =	sdelay $0x3  }
0x36: {  	p1 =	seq.s32 s10, $0x1;
	s10 =	sld [smem:$0x3FBA];
	_ =	sdelay $0x3  }
0x37: {  	[smem:$0x3FBA] =	sst s10  }
0x38: {  	s10 =	sld [smem:$0x3FBB]  }
0x39: {  	_ = 	snop;
	(pc) =	sbr.ind lr, $3  }
0x3a: {  	_ = 	snop  }
0x3b: {  	_ = 	snop  }
0x3c: {  	p2 =	seq.s32 s10, $0x1;
	s10 =	sld [smem:$0x3FBA]  }
0x3d: {  	_ =	shalt  }
0x3e: {  	_ =	shalt  }
0x3f: {  	_ =	shalt  }
0x40: {  	_ =	shalt  }
0x41: {  	_ =	shalt  }
0x42: {  	_ =	shalt  }
0x43: {  	_ =	shalt  }
0x44: {  	_ =	shalt  }
0x45: {  	_ =	shalt  }
0x46: {  	_ =	shalt  }
0x47: {  	_ =	shalt  }
0x48: {  	_ =	shalt  }
0x49: {  	_ =	shalt  }
0x4a: {  	_ =	shalt  }
0x4b: {  	_ =	shalt  }
0x4c: {  	_ =	shalt  }
0x4d: {  	_ =	shalt  }
0x4e: {  	_ =	shalt  }
0x4f: {  	_ =	shalt  }
0x50: {  	_ =	shalt  }
0x51: {  	_ =	shalt  }
0x52: {  	_ =	shalt  }
0x53: {  	_ =	shalt  }
0x54: {  	_ =	shalt  }
0x55: {  	_ =	shalt  }
0x56: {  	_ =	shalt  }
0x57: {  	_ =	shalt  }
0x58: {  	_ =	shalt  }
0x59: {  	_ =	shalt  }
0x5a: {  	_ =	shalt  }
0x5b: {  	_ =	shalt  }
0x5c: {  	_ =	shalt  }
0x5d: {  	_ =	shalt  }
0x5e: {  	_ =	shalt  }
0x5f: {  	_ =	shalt  }
0x60: {  	_ =	shalt  }
0x61: {  	_ =	shalt  }
0x62: {  	_ =	shalt  }
0x63: {  	_ =	shalt  }
0x64: {  	_ =	shalt  }
0x65: {  	_ =	shalt  }
0x66: {  	_ =	shalt  }
0x67: {  	_ =	shalt  }
0x68: {  	_ =	shalt  }
0x69: {  	_ =	shalt  }
0x6a: {  	_ =	shalt  }
0x6b: {  	_ =	shalt  }
0x6c: {  	_ =	shalt  }
0x6d: {  	_ =	shalt  }
0x6e: {  	_ =	shalt  }
0x6f: {  	_ =	shalt  }
0x70: {  	_ =	shalt  }
0x71: {  	_ =	shalt  }
0x72: {  	_ =	shalt  }
0x73: {  	_ =	shalt  }
0x74: {  	_ =	shalt  }
0x75: {  	_ =	shalt  }
0x76: {  	_ =	shalt  }
0x77: {  	_ =	shalt  }
0x78: {  	_ =	shalt  }
0x79: {  	_ =	shalt  }
0x7a: {  	_ =	shalt  }
0x7b: {  	_ =	shalt  }
0x7c: {  	_ =	shalt  }
0x7d: {  	_ =	shalt  }
0x7e: {  	_ =	shalt  }
0x7f: {  	_ =	shalt  }
0x80: {  	_ =	shalt  }
0x81: {  	_ =	shalt  }
0x82: {  	_ =	shalt  }
0x83: {  	_ =	shalt  }
0x84: {  	_ =	shalt  }
0x85: {  	_ =	shalt  }
0x86: {  	_ =	shalt  }
0x87: {  	_ =	shalt  }
.Lfunc_end0:
.L_simem_size_0:
called_computation_lowered:
.L_overlay_start_0:
0x88: {  	s2 =	sld [smem:$0x3FD9]  }
0x89: {  	s3 =	sld [smem:$0x3FFE];
	_ =	sdelay $0x1  }
0x8a: {  	s1 =	srdreg.scid  }
0x8b: {  	s0 =	sand.u32 $0x1, s1  }
0x8c: {  	s18 =	sshll.u32 s0, $0xA;
	s2 =	sadd.s32 s3, s2  }
0x8d: {  	s2 =	sadd.s32 s2, s18  }
0x8e: {  	[smem:$0x3FC6] =	sst s2  }
0x8f: {  	_ = 	snop  }
0x90: {  	s2 =	sld [smem:$0x3FC9];
	(tm) =	ssettm $0x1  }
0x91: {  	s19 =	sld [smem:$0x3FFB];
	_ =	sdelay $0x3  }
0x92: {  	_ =	strace s19  }
0x93: {  	s3 =	sld [smem:$0x3FFC];
	_ =	sdelay $0x3  }
0x94: {  	_ =	strace s3  }
0x95: {  	s3 =	sld [smem:$0x3FFD];
	_ =	sdelay $0x3  }
0x96: {  	_ =	strace s3  }
0x97: {  	_ =	strace $0x8FFFFFFF  }
0x98: {  	s20 =	sld [smem:$0x3FDB];
	_ =	sdelay $0x1  }
0x99: {  	s4 =	simm.s32 $_scs_section_size  }
0x9a: {  	s5 =	simm.s32 $_size__tile_overlayer_lowered;
	s6 =	simm.s32 $_tile_overlayer_lowered  }
0x9b: {  	s23 =	simm.s32 $0x1BFF;
	s22 =	sshll.u32 s6, $0x1;
	s3 =	sadd.s32 s4, s20  }
0x9c: {  	s7 =	simm.s32 $0x0;
	s21 =	sshll.u32 s5, $0x1;
	s5 =	sadd.s32 s22, s3  }
0x9d: {  	[timem:s7], [sflag:s23] =	dma.local [hbm:s5], s21  }
0x9e: {  	_ =	swait.ge [sflag:s23], s21  }
0x9f: {  	s4 =	ssub.s32 $0x0, s21;
	[sflag:s23] =	ssyncset.done $0x0  }
0xa0: {  	[sflag:s23] =	ssyncadd.s32 s4;
	_ =	sdelay $0x1  }
0xa1: {  	s24 =	simm.s32 $0x1B8B  }
0xa2: {  	_ =	swait.ge [sflag:s24], $0x1  }
0xa3: {  	[sflag:s24] =	ssyncset.done $0x0  }
0xa4: {  	s25 =	simm.s32 $0x1B8E;
	[sflag:s24] =	ssyncadd.s32 $0xFFFFFFFF  }
0xa5: {  	s26 =	simm.s32 $execute0_lowered;
	[smem:$0x3FD2] =	sst s25  }
0xa6: {  	s4 =	sshll.u32 s26, $0x1;
	_ =	strace $0x80000046;
	[dreg:$0x1] =	wrdreg $0xFFFFFFFF  }
0xa7: {  	s28 =	simm.s32 $_size_execute0_lowered;
	s3 =	sadd.s32 s3, s4;
	[dreg:$0x0] =	wrdreg $0x0  }
0xa8: {  	s4 =	sshll.u32 s28, $0x1;
	[dreg:$0x2] =	wrdreg s3  }
0xa9: {  	[dreg:$0x3] =	wrdreg s4  }
0xaa: {  	[dreg:$0x4] =	wrdreg $0xC0  }
0xab: {  	_ =	task [dreg:s7], $0x5FFFF  }
0xac: {  	[dreg:$0x1] =	wrdreg $0xFFFFFFFF  }
0xad: {  	[dreg:$0x0] =	wrdreg $0x60  }
0xae: {  	[dreg:$0x2] =	wrdreg s2  }
0xaf: {  	[dreg:$0x3] =	wrdreg $0x0  }
0xb0: {  	[dreg:$0x4] =	wrdreg $0x9  }
0xb1: {  	_ =	task.clear_ibuf [dreg:s7], $0x5FFFF;
	_ =	strace $0x90000046  }
0xb2: {  	s29 =	simm.s32 $0x9;
	_ =	strace $0x80000048  }
0xb3: {  	_ =	swait.ge [sflag:s29], $0x1  }
0xb4: {  	[sflag:s29] =	ssyncadd.s32 $0xFFFFFFFF  }
0xb5: {  	_ =	strace $0x90000048  }
0xb6: {  	_ =	sfence  }
0xb7: {  	s30 =	sld [smem:$0x0];
	_ =	sdelay $0x2  }
0xb8: {  	s31 =	sshll.u32 s1, $0xD;
	s1 =	sshrl.u32 s1, $0x2  }
0xb9: {  	s3 =	sand.u32 $0x4000, s31;
	s1 =	sadd.s32 s1, s30  }
0xba: {  	s0 =	sor.u32 s3, s0;
	s1 =	sshll.u32 s1, $0x11  }
0xbb: {  	s0 =	sor.u32 s1, s0  }
0xbc: {  	s0 =	sadd.s32 $0x8F2B, s0  }
0xbd: {  	[sflag:s0] =	ssyncadd.remote.s32 $0x1  }
0xbe: {  	_ =	sfence.sel $0xFFFF  }
0xbf: {  	[dreg:$0x0] =	wrdreg $0xFFFFFFFF;
	(pc) =	sbr.abs _section_cstart, $3  }
0xc0: {  	[dreg:$0x1] =	wrdreg $0xFFFFFFFF  }
0xc1: {  	_ =	task.clear_ibuf [dreg:s7], $0x2FFFF;
	_ =	strace $0x9FFFFFFF  }
0xc2: {  	(tm) =	ssettm $0x7FFFFFFF  }
0xc3: {  	_ =	shalt  }
tec
execute0_lowered:
.L_overlay_start_1:
0x0: {  	(tag) =	ssettag $0x1  }
0x1: {  	s2 =	stileid.u32  }
0x2: {  	p0 =	sne.s32 s2, $0x0  }
.Ltmp0:
0x3: {  	_ = 	snop;
	(pc) =	sbr.rel @p0 .LBB2_5-.Ltmp0, $4  }
0x4: {  	s3 =	rddreg [dreg:$0x0]  }
0x5: {  	s5 =	rddreg [dreg:$0x1];
	s1 =	simm.s32 $0x0  }
0x6: {  	[smem:$0x7FF] =	sst s1  }
0x7: {  	s0 =	rddreg [dreg:$0x2];
	_ =	strace $0x80000047  }
0x8: {  	s1 =	srdreg.scid  }
0x9: {  	s1 =	sand.u32 $0x1, s1  }
0xa: {  	s7 =	sshll.u32 s1, $0x14;
	s1 =	ssub.s32 $0x2, s1  }
0xb: {  	p1 =	por $0x0, $0x0;
	s8 =	sadd.s32 s7, s3;
	s12 =	sshrl.u32 s1, $0x1  }
0xc: {  	s29 =	sadd.s32 s3, s7;
	s7 =	simm.s32 $0x1C01;
	s2 =	sadd.s32 $0x8000, s8  }
0xd: {  	s24 =	sadd.s32 $0x10000, s8;
	s25 =	sadd.s32 $0x18000, s8;
	s26 =	sadd.s32 $0x20000, s8  }
0xe: {  	s31 =	sadd.s32 $0x28000, s8;
	s4 =	sadd.s32 $0x30000, s8;
	s6 =	sadd.s32 $0x38000, s8  }
0xf: {  	s9 =	sadd.s32 $0x40000, s8;
	s10 =	sadd.s32 $0x48000, s8;
	[dreg:$0x3] =	wrdreg s2  }
0x10: {  	s11 =	sadd.s32 $0x50000, s8;
	s28 =	sadd.s32 $0x58000, s8;
	[dreg:$0x4] =	wrdreg s24  }
0x11: {  	s23 =	sadd.s32 $0x78000, s8;
	s22 =	sadd.s32 $0x80000, s8;
	[dreg:$0x5] =	wrdreg s25  }
0x12: {  	s21 =	sadd.s32 $0x88000, s8;
	s20 =	sadd.s32 $0x90000, s8;
	[dreg:$0x6] =	wrdreg s26  }
0x13: {  	s19 =	sadd.s32 $0x98000, s8;
	s18 =	sadd.s32 $0xA0000, s8;
	[dreg:$0x7] =	wrdreg s31  }
0x14: {  	s17 =	sadd.s32 $0xA8000, s8;
	s16 =	sadd.s32 $0xB0000, s8;
	[dreg:$0x8] =	wrdreg s4  }
0x15: {  	s15 =	sadd.s32 $0xB8000, s8;
	s14 =	sadd.s32 $0xC0000, s8;
	[dreg:$0x9] =	wrdreg s6  }
0x16: {  	s13 =	sadd.s32 $0xC8000, s8;
	s12 =	ssub.s32 s1, s12;
	[dreg:$0xa] =	wrdreg s9  }
0x17: {  	s1 =	sadd.s32 $0xF8000, s8;
	[dreg:$0xb] =	wrdreg s10;
	s31 =	smax.u32 s12, $0x1  }
0x18: {  	s9 =	sadd.s32 $0x40000, s5;
	[dreg:$0xc] =	wrdreg s11;
	p2 =	sne.s32 s31, $0x1  }
.Ltmp1:
0x19: {  	s26 =	sadd.s32 $0x60000, s8;
	s25 =	sadd.s32 $0x68000, s8;
	(pc) =	sbr.rel @!p2 .LBB2_4-.Ltmp1, $4  }
0x1a: {  	s24 =	sadd.s32 $0x70000, s8;
	s11 =	sadd.s32 $0xD0000, s8;
	s10 =	sadd.s32 $0xD8000, s8  }
0x1b: {  	s6 =	sadd.s32 $0xE0000, s8;
	s4 =	sadd.s32 $0xE8000, s8;
	s2 =	sadd.s32 $0xF0000, s8  }
0x1c: {  	s12 =	sshrl.u32 s5, $0x3;
	s8 =	simm.s32 $0x1;
	s5 =	simm.s32 $0x2  }
0x1d: {  	s3 =	sshrl.u32 s9, $0x3;
	s30 =	sadd.s32 $0xFFFFFFFF, s31;
	s9 =	simm.s32 $0x1C02  }
0x1e: {  	[spmem:s12], [sflag:s7] =	dma.local [hbm:s29], $0x8000  }
0x1f: {  	s31 =	rddreg [dreg:$0x3]  }
0x20: {  	[spmem:s3], [sflag:s9] =	dma.local [hbm:s31], $0x8000  }
0x21: {  	_ =	swait.ge [sflag:s8], $0x8000  }
0x22: {  	[sflag:s8] =	ssyncset.done $0x0  }
0x23: {  	s31 =	rddreg [dreg:$0x4];
	[sflag:s8] =	ssyncadd.s32 $0xFFFF8000  }
0x24: {  	[spmem:s12], [sflag:s7] =	dma.local [hbm:s31], $0x8000  }
0x25: {  	_ =	swait.ge [sflag:s5], $0x8000  }
0x26: {  	[sflag:s5] =	ssyncset.done $0x0  }
0x27: {  	s31 =	rddreg [dreg:$0x5];
	[sflag:s5] =	ssyncadd.s32 $0xFFFF8000  }
0x28: {  	[spmem:s3], [sflag:s9] =	dma.local [hbm:s31], $0x8000  }
0x29: {  	_ =	swait.ge [sflag:s8], $0x8000  }
0x2a: {  	[sflag:s8] =	ssyncset.done $0x0  }
0x2b: {  	s31 =	rddreg [dreg:$0x6];
	[sflag:s8] =	ssyncadd.s32 $0xFFFF8000  }
0x2c: {  	[spmem:s12], [sflag:s7] =	dma.local [hbm:s31], $0x8000  }
0x2d: {  	_ =	swait.ge [sflag:s5], $0x8000  }
0x2e: {  	[sflag:s5] =	ssyncset.done $0x0  }
0x2f: {  	s31 =	rddreg [dreg:$0x7];
	[sflag:s5] =	ssyncadd.s32 $0xFFFF8000  }
0x30: {  	[spmem:s3], [sflag:s9] =	dma.local [hbm:s31], $0x8000  }
0x31: {  	_ =	swait.ge [sflag:s8], $0x8000  }
0x32: {  	[sflag:s8] =	ssyncset.done $0x0  }
0x33: {  	s31 =	rddreg [dreg:$0x8];
	[sflag:s8] =	ssyncadd.s32 $0xFFFF8000  }
0x34: {  	[spmem:s12], [sflag:s7] =	dma.local [hbm:s31], $0x8000  }
0x35: {  	_ =	swait.ge [sflag:s5], $0x8000  }
0x36: {  	[sflag:s5] =	ssyncset.done $0x0  }
0x37: {  	s31 =	rddreg [dreg:$0x9];
	[sflag:s5] =	ssyncadd.s32 $0xFFFF8000  }
0x38: {  	[spmem:s3], [sflag:s9] =	dma.local [hbm:s31], $0x8000  }
0x39: {  	_ =	swait.ge [sflag:s8], $0x8000  }
0x3a: {  	[sflag:s8] =	ssyncset.done $0x0  }
0x3b: {  	s31 =	rddreg [dreg:$0xa];
	[sflag:s8] =	ssyncadd.s32 $0xFFFF8000  }
0x3c: {  	[spmem:s12], [sflag:s7] =	dma.local [hbm:s31], $0x8000  }
0x3d: {  	_ =	swait.ge [sflag:s5], $0x8000  }
0x3e: {  	[sflag:s5] =	ssyncset.done $0x0  }
0x3f: {  	s31 =	rddreg [dreg:$0xb];
	[sflag:s5] =	ssyncadd.s32 $0xFFFF8000  }
0x40: {  	[spmem:s3], [sflag:s9] =	dma.local [hbm:s31], $0x8000  }
0x41: {  	_ =	swait.ge [sflag:s8], $0x8000  }
0x42: {  	[sflag:s8] =	ssyncset.done $0x0  }
0x43: {  	s31 =	rddreg [dreg:$0xc];
	[sflag:s8] =	ssyncadd.s32 $0xFFFF8000  }
0x44: {  	[spmem:s12], [sflag:s7] =	dma.local [hbm:s31], $0x8000  }
0x45: {  	_ =	swait.ge [sflag:s5], $0x8000  }
0x46: {  	[sflag:s5] =	ssyncset.done $0x0  }
0x47: {  	[sflag:s5] =	ssyncadd.s32 $0xFFFF8000  }
0x48: {  	[spmem:s3], [sflag:s9] =	dma.local [hbm:s28], $0x8000  }
0x49: {  	_ =	swait.ge [sflag:s8], $0x8000  }
0x4a: {  	[sflag:s8] =	ssyncset.done $0x0  }
0x4b: {  	[sflag:s8] =	ssyncadd.s32 $0xFFFF8000  }
0x4c: {  	[spmem:s12], [sflag:s7] =	dma.local [hbm:s26], $0x8000  }
0x4d: {  	_ =	swait.ge [sflag:s5], $0x8000  }
0x4e: {  	[sflag:s5] =	ssyncset.done $0x0  }
0x4f: {  	[sflag:s5] =	ssyncadd.s32 $0xFFFF8000  }
0x50: {  	[spmem:s3], [sflag:s9] =	dma.local [hbm:s25], $0x8000  }
0x51: {  	_ =	swait.ge [sflag:s8], $0x8000  }
0x52: {  	[sflag:s8] =	ssyncset.done $0x0  }
0x53: {  	[sflag:s8] =	ssyncadd.s32 $0xFFFF8000  }
0x54: {  	[spmem:s12], [sflag:s7] =	dma.local [hbm:s24], $0x8000  }
0x55: {  	_ =	swait.ge [sflag:s5], $0x8000  }
0x56: {  	[sflag:s5] =	ssyncset.done $0x0  }
0x57: {  	[sflag:s5] =	ssyncadd.s32 $0xFFFF8000  }
0x58: {  	[spmem:s3], [sflag:s9] =	dma.local [hbm:s23], $0x8000  }
0x59: {  	_ =	swait.ge [sflag:s8], $0x8000  }
0x5a: {  	[sflag:s8] =	ssyncset.done $0x0  }
0x5b: {  	[sflag:s8] =	ssyncadd.s32 $0xFFFF8000  }
0x5c: {  	[spmem:s12], [sflag:s7] =	dma.local [hbm:s22], $0x8000  }
0x5d: {  	_ =	swait.ge [sflag:s5], $0x8000  }
0x5e: {  	[sflag:s5] =	ssyncset.done $0x0  }
0x5f: {  	[sflag:s5] =	ssyncadd.s32 $0xFFFF8000  }
0x60: {  	[spmem:s3], [sflag:s9] =	dma.local [hbm:s21], $0x8000  }
0x61: {  	_ =	swait.ge [sflag:s8], $0x8000  }
0x62: {  	[sflag:s8] =	ssyncset.done $0x0  }
0x63: {  	[sflag:s8] =	ssyncadd.s32 $0xFFFF8000  }
0x64: {  	[spmem:s12], [sflag:s7] =	dma.local [hbm:s20], $0x8000  }
0x65: {  	_ =	swait.ge [sflag:s5], $0x8000  }
0x66: {  	[sflag:s5] =	ssyncset.done $0x0  }
0x67: {  	[sflag:s5] =	ssyncadd.s32 $0xFFFF8000  }
0x68: {  	[spmem:s3], [sflag:s9] =	dma.local [hbm:s19], $0x8000  }
0x69: {  	_ =	swait.ge [sflag:s8], $0x8000  }
0x6a: {  	[sflag:s8] =	ssyncset.done $0x0  }
0x6b: {  	[sflag:s8] =	ssyncadd.s32 $0xFFFF8000  }
0x6c: {  	[spmem:s12], [sflag:s7] =	dma.local [hbm:s18], $0x8000  }
0x6d: {  	_ =	swait.ge [sflag:s5], $0x8000  }
0x6e: {  	[sflag:s5] =	ssyncset.done $0x0  }
0x6f: {  	[sflag:s5] =	ssyncadd.s32 $0xFFFF8000  }
0x70: {  	[spmem:s3], [sflag:s9] =	dma.local [hbm:s17], $0x8000  }
0x71: {  	_ =	swait.ge [sflag:s8], $0x8000  }
0x72: {  	[sflag:s8] =	ssyncset.done $0x0  }
0x73: {  	[sflag:s8] =	ssyncadd.s32 $0xFFFF8000  }
0x74: {  	[spmem:s12], [sflag:s7] =	dma.local [hbm:s16], $0x8000  }
0x75: {  	_ =	swait.ge [sflag:s5], $0x8000  }
0x76: {  	[sflag:s5] =	ssyncset.done $0x0  }
0x77: {  	[sflag:s5] =	ssyncadd.s32 $0xFFFF8000  }
0x78: {  	[spmem:s3], [sflag:s9] =	dma.local [hbm:s15], $0x8000  }
0x79: {  	_ =	swait.ge [sflag:s8], $0x8000  }
0x7a: {  	[sflag:s8] =	ssyncset.done $0x0  }
0x7b: {  	[sflag:s8] =	ssyncadd.s32 $0xFFFF8000  }
0x7c: {  	[spmem:s12], [sflag:s7] =	dma.local [hbm:s14], $0x8000  }
0x7d: {  	_ =	swait.ge [sflag:s5], $0x8000  }
0x7e: {  	[sflag:s5] =	ssyncset.done $0x0  }
0x7f: {  	[sflag:s5] =	ssyncadd.s32 $0xFFFF8000  }
0x80: {  	[spmem:s3], [sflag:s9] =	dma.local [hbm:s13], $0x8000  }
0x81: {  	_ =	swait.ge [sflag:s8], $0x8000  }
0x82: {  	[sflag:s8] =	ssyncset.done $0x0  }
0x83: {  	[sflag:s8] =	ssyncadd.s32 $0xFFFF8000  }
0x84: {  	[spmem:s12], [sflag:s7] =	dma.local [hbm:s11], $0x8000  }
0x85: {  	_ =	swait.ge [sflag:s5], $0x8000  }
0x86: {  	[sflag:s5] =	ssyncset.done $0x0  }
0x87: {  	[sflag:s5] =	ssyncadd.s32 $0xFFFF8000  }
0x88: {  	[spmem:s3], [sflag:s9] =	dma.local [hbm:s10], $0x8000  }
0x89: {  	_ =	swait.ge [sflag:s8], $0x8000  }
0x8a: {  	[sflag:s8] =	ssyncset.done $0x0  }
0x8b: {  	[sflag:s8] =	ssyncadd.s32 $0xFFFF8000  }
0x8c: {  	[spmem:s12], [sflag:s7] =	dma.local [hbm:s6], $0x8000  }
0x8d: {  	_ =	swait.ge [sflag:s5], $0x8000  }
0x8e: {  	[sflag:s5] =	ssyncset.done $0x0  }
0x8f: {  	[sflag:s5] =	ssyncadd.s32 $0xFFFF8000  }
0x90: {  	[spmem:s3], [sflag:s9] =	dma.local [hbm:s4], $0x8000  }
0x91: {  	_ =	swait.ge [sflag:s8], $0x8000  }
0x92: {  	[sflag:s8] =	ssyncset.done $0x0  }
0x93: {  	[sflag:s8] =	ssyncadd.s32 $0xFFFF8000  }
0x94: {  	[spmem:s12], [sflag:s7] =	dma.local [hbm:s2], $0x8000  }
0x95: {  	_ =	swait.ge [sflag:s5], $0x8000  }
0x96: {  	[sflag:s5] =	ssyncset.done $0x0  }
0x97: {  	p2 =	sne.s32 s30, $0x1;
	[sflag:s5] =	ssyncadd.s32 $0xFFFF8000  }
0x98: {  	[spmem:s3], [sflag:s9] =	dma.local [hbm:s1], $0x8000  }
.Ltmp2:
0x99: {  	_ =	swait.ge [sflag:s8], $0x8000;
	(pc) =	sbr.rel @!p2 .LBB2_4-.Ltmp2, $4  }
0x9a: {  	[sflag:s8] =	ssyncset.done $0x0  }
0x9b: {  	[sflag:s8] =	ssyncadd.s32 $0xFFFF8000  }
0x9c: {  	_ =	swait.ge [sflag:s5], $0x8000  }
0x9d: {  	s30 =	sadd.s32 $0xFFFFFFFF, s30;
	p1 =	por $0x1, $0x1;
	[sflag:s5] =	ssyncset.done $0x0  }
.LBB2_3:
0x9e: {  	[sflag:s5] =	ssyncadd.s32 $0xFFFF8000  }
0x9f: {  	[spmem:s12], [sflag:s7] =	dma.local [hbm:s29], $0x8000  }
0xa0: {  	s31 =	rddreg [dreg:$0x3]  }
0xa1: {  	[spmem:s3], [sflag:s9] =	dma.local [hbm:s31], $0x8000  }
0xa2: {  	_ =	swait.ge [sflag:s8], $0x8000  }
0xa3: {  	[sflag:s8] =	ssyncset.done $0x0  }
0xa4: {  	s31 =	rddreg [dreg:$0x4];
	[sflag:s8] =	ssyncadd.s32 $0xFFFF8000  }
0xa5: {  	[spmem:s12], [sflag:s7] =	dma.local [hbm:s31], $0x8000  }
0xa6: {  	_ =	swait.ge [sflag:s5], $0x8000  }
0xa7: {  	[sflag:s5] =	ssyncset.done $0x0  }
0xa8: {  	s31 =	rddreg [dreg:$0x5];
	[sflag:s5] =	ssyncadd.s32 $0xFFFF8000  }
0xa9: {  	[spmem:s3], [sflag:s9] =	dma.local [hbm:s31], $0x8000  }
0xaa: {  	_ =	swait.ge [sflag:s8], $0x8000  }
0xab: {  	[sflag:s8] =	ssyncset.done $0x0  }
0xac: {  	s31 =	rddreg [dreg:$0x6];
	[sflag:s8] =	ssyncadd.s32 $0xFFFF8000  }
0xad: {  	[spmem:s12], [sflag:s7] =	dma.local [hbm:s31], $0x8000  }
0xae: {  	_ =	swait.ge [sflag:s5], $0x8000  }
0xaf: {  	[sflag:s5] =	ssyncset.done $0x0  }
0xb0: {  	s31 =	rddreg [dreg:$0x7];
	[sflag:s5] =	ssyncadd.s32 $0xFFFF8000  }
0xb1: {  	[spmem:s3], [sflag:s9] =	dma.local [hbm:s31], $0x8000  }
0xb2: {  	_ =	swait.ge [sflag:s8], $0x8000  }
0xb3: {  	[sflag:s8] =	ssyncset.done $0x0  }
0xb4: {  	s31 =	rddreg [dreg:$0x8];
	[sflag:s8] =	ssyncadd.s32 $0xFFFF8000  }
0xb5: {  	[spmem:s12], [sflag:s7] =	dma.local [hbm:s31], $0x8000  }
0xb6: {  	_ =	swait.ge [sflag:s5], $0x8000  }
0xb7: {  	[sflag:s5] =	ssyncset.done $0x0  }
0xb8: {  	s31 =	rddreg [dreg:$0x9];
	[sflag:s5] =	ssyncadd.s32 $0xFFFF8000  }
0xb9: {  	[spmem:s3], [sflag:s9] =	dma.local [hbm:s31], $0x8000  }
0xba: {  	_ =	swait.ge [sflag:s8], $0x8000  }
0xbb: {  	[sflag:s8] =	ssyncset.done $0x0  }
0xbc: {  	s31 =	rddreg [dreg:$0xa];
	[sflag:s8] =	ssyncadd.s32 $0xFFFF8000  }
0xbd: {  	[spmem:s12], [sflag:s7] =	dma.local [hbm:s31], $0x8000  }
0xbe: {  	_ =	swait.ge [sflag:s5], $0x8000  }
0xbf: {  	[sflag:s5] =	ssyncset.done $0x0  }
0xc0: {  	s31 =	rddreg [dreg:$0xb];
	[sflag:s5] =	ssyncadd.s32 $0xFFFF8000  }
0xc1: {  	[spmem:s3], [sflag:s9] =	dma.local [hbm:s31], $0x8000  }
0xc2: {  	_ =	swait.ge [sflag:s8], $0x8000  }
0xc3: {  	[sflag:s8] =	ssyncset.done $0x0  }
0xc4: {  	s31 =	rddreg [dreg:$0xc];
	[sflag:s8] =	ssyncadd.s32 $0xFFFF8000  }
0xc5: {  	[spmem:s12], [sflag:s7] =	dma.local [hbm:s31], $0x8000  }
0xc6: {  	_ =	swait.ge [sflag:s5], $0x8000  }
0xc7: {  	[sflag:s5] =	ssyncset.done $0x0  }
0xc8: {  	[sflag:s5] =	ssyncadd.s32 $0xFFFF8000  }
0xc9: {  	[spmem:s3], [sflag:s9] =	dma.local [hbm:s28], $0x8000  }
0xca: {  	_ =	swait.ge [sflag:s8], $0x8000  }
0xcb: {  	[sflag:s8] =	ssyncset.done $0x0  }
0xcc: {  	[sflag:s8] =	ssyncadd.s32 $0xFFFF8000  }
0xcd: {  	[spmem:s12], [sflag:s7] =	dma.local [hbm:s26], $0x8000  }
0xce: {  	_ =	swait.ge [sflag:s5], $0x8000  }
0xcf: {  	[sflag:s5] =	ssyncset.done $0x0  }
0xd0: {  	[sflag:s5] =	ssyncadd.s32 $0xFFFF8000  }
0xd1: {  	[spmem:s3], [sflag:s9] =	dma.local [hbm:s25], $0x8000  }
0xd2: {  	_ =	swait.ge [sflag:s8], $0x8000  }
0xd3: {  	[sflag:s8] =	ssyncset.done $0x0  }
0xd4: {  	[sflag:s8] =	ssyncadd.s32 $0xFFFF8000  }
0xd5: {  	[spmem:s12], [sflag:s7] =	dma.local [hbm:s24], $0x8000  }
0xd6: {  	_ =	swait.ge [sflag:s5], $0x8000  }
0xd7: {  	[sflag:s5] =	ssyncset.done $0x0  }
0xd8: {  	[sflag:s5] =	ssyncadd.s32 $0xFFFF8000  }
0xd9: {  	[spmem:s3], [sflag:s9] =	dma.local [hbm:s23], $0x8000  }
0xda: {  	_ =	swait.ge [sflag:s8], $0x8000  }
0xdb: {  	[sflag:s8] =	ssyncset.done $0x0  }
0xdc: {  	[sflag:s8] =	ssyncadd.s32 $0xFFFF8000  }
0xdd: {  	[spmem:s12], [sflag:s7] =	dma.local [hbm:s22], $0x8000  }
0xde: {  	_ =	swait.ge [sflag:s5], $0x8000  }
0xdf: {  	[sflag:s5] =	ssyncset.done $0x0  }
0xe0: {  	[sflag:s5] =	ssyncadd.s32 $0xFFFF8000  }
0xe1: {  	[spmem:s3], [sflag:s9] =	dma.local [hbm:s21], $0x8000  }
0xe2: {  	_ =	swait.ge [sflag:s8], $0x8000  }
0xe3: {  	[sflag:s8] =	ssyncset.done $0x0  }
0xe4: {  	[sflag:s8] =	ssyncadd.s32 $0xFFFF8000  }
0xe5: {  	[spmem:s12], [sflag:s7] =	dma.local [hbm:s20], $0x8000  }
0xe6: {  	_ =	swait.ge [sflag:s5], $0x8000  }
0xe7: {  	[sflag:s5] =	ssyncset.done $0x0  }
0xe8: {  	[sflag:s5] =	ssyncadd.s32 $0xFFFF8000  }
0xe9: {  	[spmem:s3], [sflag:s9] =	dma.local [hbm:s19], $0x8000  }
0xea: {  	_ =	swait.ge [sflag:s8], $0x8000  }
0xeb: {  	[sflag:s8] =	ssyncset.done $0x0  }
0xec: {  	[sflag:s8] =	ssyncadd.s32 $0xFFFF8000  }
0xed: {  	[spmem:s12], [sflag:s7] =	dma.local [hbm:s18], $0x8000  }
0xee: {  	_ =	swait.ge [sflag:s5], $0x8000  }
0xef: {  	[sflag:s5] =	ssyncset.done $0x0  }
0xf0: {  	[sflag:s5] =	ssyncadd.s32 $0xFFFF8000  }
0xf1: {  	[spmem:s3], [sflag:s9] =	dma.local [hbm:s17], $0x8000  }
0xf2: {  	_ =	swait.ge [sflag:s8], $0x8000  }
0xf3: {  	[sflag:s8] =	ssyncset.done $0x0  }
0xf4: {  	[sflag:s8] =	ssyncadd.s32 $0xFFFF8000  }
0xf5: {  	[spmem:s12], [sflag:s7] =	dma.local [hbm:s16], $0x8000  }
0xf6: {  	_ =	swait.ge [sflag:s5], $0x8000  }
0xf7: {  	[sflag:s5] =	ssyncset.done $0x0  }
0xf8: {  	[sflag:s5] =	ssyncadd.s32 $0xFFFF8000  }
0xf9: {  	[spmem:s3], [sflag:s9] =	dma.local [hbm:s15], $0x8000  }
0xfa: {  	_ =	swait.ge [sflag:s8], $0x8000  }
0xfb: {  	[sflag:s8] =	ssyncset.done $0x0  }
0xfc: {  	[sflag:s8] =	ssyncadd.s32 $0xFFFF8000  }
0xfd: {  	[spmem:s12], [sflag:s7] =	dma.local [hbm:s14], $0x8000  }
0xfe: {  	_ =	swait.ge [sflag:s5], $0x8000  }
0xff: {  	[sflag:s5] =	ssyncset.done $0x0  }
0x100: {  	[sflag:s5] =	ssyncadd.s32 $0xFFFF8000  }
0x101: {  	[spmem:s3], [sflag:s9] =	dma.local [hbm:s13], $0x8000  }
0x102: {  	_ =	swait.ge [sflag:s8], $0x8000  }
0x103: {  	[sflag:s8] =	ssyncset.done $0x0  }
0x104: {  	[sflag:s8] =	ssyncadd.s32 $0xFFFF8000  }
0x105: {  	[spmem:s12], [sflag:s7] =	dma.local [hbm:s11], $0x8000  }
0x106: {  	_ =	swait.ge [sflag:s5], $0x8000  }
0x107: {  	[sflag:s5] =	ssyncset.done $0x0  }
0x108: {  	[sflag:s5] =	ssyncadd.s32 $0xFFFF8000  }
0x109: {  	[spmem:s3], [sflag:s9] =	dma.local [hbm:s10], $0x8000  }
0x10a: {  	_ =	swait.ge [sflag:s8], $0x8000  }
0x10b: {  	[sflag:s8] =	ssyncset.done $0x0  }
0x10c: {  	[sflag:s8] =	ssyncadd.s32 $0xFFFF8000  }
0x10d: {  	[spmem:s12], [sflag:s7] =	dma.local [hbm:s6], $0x8000  }
0x10e: {  	_ =	swait.ge [sflag:s5], $0x8000  }
0x10f: {  	[sflag:s5] =	ssyncset.done $0x0  }
0x110: {  	[sflag:s5] =	ssyncadd.s32 $0xFFFF8000  }
0x111: {  	[spmem:s3], [sflag:s9] =	dma.local [hbm:s4], $0x8000  }
0x112: {  	_ =	swait.ge [sflag:s8], $0x8000  }
0x113: {  	[sflag:s8] =	ssyncset.done $0x0  }
0x114: {  	[sflag:s8] =	ssyncadd.s32 $0xFFFF8000  }
0x115: {  	[spmem:s12], [sflag:s7] =	dma.local [hbm:s2], $0x8000  }
0x116: {  	_ =	swait.ge [sflag:s5], $0x8000  }
0x117: {  	[sflag:s5] =	ssyncset.done $0x0  }
0x118: {  	p2 =	sne.s32 s30, $0x1;
	[sflag:s5] =	ssyncadd.s32 $0xFFFF8000  }
0x119: {  	[spmem:s3], [sflag:s9] =	dma.local [hbm:s1], $0x8000  }
.Ltmp3:
0x11a: {  	_ =	swait.ge [sflag:s8], $0x8000;
	(pc) =	sbr.rel @p2 .LBB2_3-.Ltmp3, $4  }
0x11b: {  	[sflag:s8] =	ssyncset.done $0x0  }
0x11c: {  	[sflag:s8] =	ssyncadd.s32 $0xFFFF8000  }
0x11d: {  	_ =	swait.ge [sflag:s5], $0x8000  }
0x11e: {  	s30 =	sadd.s32 $0xFFFFFFFF, s30;
	[sflag:s5] =	ssyncset.done $0x0  }
.LBB2_4:
0x11f: {  	[sflag:s5] =	ssyncadd.s32 @p1 $0xFFFF8000  }
0x120: {  	[spmem:s12], [sflag:s7] =	dma.local [hbm:s29], $0x8000  }
0x121: {  	s29 =	rddreg [dreg:$0x3]  }
0x122: {  	[spmem:s3], [sflag:s9] =	dma.local [hbm:s29], $0x8000  }
0x123: {  	_ =	swait.ge [sflag:s8], $0x8000  }
0x124: {  	[sflag:s8] =	ssyncset.done $0x0  }
0x125: {  	s31 =	rddreg [dreg:$0x4];
	[sflag:s8] =	ssyncadd.s32 $0xFFFF8000  }
0x126: {  	[spmem:s12], [sflag:s7] =	dma.local [hbm:s31], $0x8000  }
0x127: {  	_ =	swait.ge [sflag:s5], $0x8000  }
0x128: {  	[sflag:s5] =	ssyncset.done $0x0  }
0x129: {  	s30 =	rddreg [dreg:$0x5];
	[sflag:s5] =	ssyncadd.s32 $0xFFFF8000  }
0x12a: {  	[spmem:s3], [sflag:s9] =	dma.local [hbm:s30], $0x8000  }
0x12b: {  	_ =	swait.ge [sflag:s8], $0x8000  }
0x12c: {  	[sflag:s8] =	ssyncset.done $0x0  }
0x12d: {  	s31 =	rddreg [dreg:$0x6];
	[sflag:s8] =	ssyncadd.s32 $0xFFFF8000  }
0x12e: {  	[spmem:s12], [sflag:s7] =	dma.local [hbm:s31], $0x8000  }
0x12f: {  	_ =	swait.ge [sflag:s5], $0x8000  }
0x130: {  	[sflag:s5] =	ssyncset.done $0x0  }
0x131: {  	s30 =	rddreg [dreg:$0x7];
	[sflag:s5] =	ssyncadd.s32 $0xFFFF8000  }
0x132: {  	[spmem:s3], [sflag:s9] =	dma.local [hbm:s30], $0x8000  }
0x133: {  	_ =	swait.ge [sflag:s8], $0x8000  }
0x134: {  	[sflag:s8] =	ssyncset.done $0x0  }
0x135: {  	s31 =	rddreg [dreg:$0x8];
	[sflag:s8] =	ssyncadd.s32 $0xFFFF8000  }
0x136: {  	[spmem:s12], [sflag:s7] =	dma.local [hbm:s31], $0x8000  }
0x137: {  	_ =	swait.ge [sflag:s5], $0x8000  }
0x138: {  	[sflag:s5] =	ssyncset.done $0x0  }
0x139: {  	s30 =	rddreg [dreg:$0x9];
	[sflag:s5] =	ssyncadd.s32 $0xFFFF8000  }
0x13a: {  	[spmem:s3], [sflag:s9] =	dma.local [hbm:s30], $0x8000  }
0x13b: {  	_ =	swait.ge [sflag:s8], $0x8000  }
0x13c: {  	[sflag:s8] =	ssyncset.done $0x0  }
0x13d: {  	s31 =	rddreg [dreg:$0xa];
	[sflag:s8] =	ssyncadd.s32 $0xFFFF8000  }
0x13e: {  	[spmem:s12], [sflag:s7] =	dma.local [hbm:s31], $0x8000  }
0x13f: {  	_ =	swait.ge [sflag:s5], $0x8000  }
0x140: {  	[sflag:s5] =	ssyncset.done $0x0  }
0x141: {  	s30 =	rddreg [dreg:$0xb];
	[sflag:s5] =	ssyncadd.s32 $0xFFFF8000  }
0x142: {  	[spmem:s3], [sflag:s9] =	dma.local [hbm:s30], $0x8000  }
0x143: {  	_ =	swait.ge [sflag:s8], $0x8000  }
0x144: {  	[sflag:s8] =	ssyncset.done $0x0  }
0x145: {  	s31 =	rddreg [dreg:$0xc];
	[sflag:s8] =	ssyncadd.s32 $0xFFFF8000  }
0x146: {  	[spmem:s12], [sflag:s7] =	dma.local [hbm:s31], $0x8000  }
0x147: {  	_ =	swait.ge [sflag:s5], $0x8000  }
0x148: {  	[sflag:s5] =	ssyncset.done $0x0  }
0x149: {  	[sflag:s5] =	ssyncadd.s32 $0xFFFF8000  }
0x14a: {  	[spmem:s3], [sflag:s9] =	dma.local [hbm:s28], $0x8000  }
0x14b: {  	_ =	swait.ge [sflag:s8], $0x8000  }
0x14c: {  	[sflag:s8] =	ssyncset.done $0x0  }
0x14d: {  	[sflag:s8] =	ssyncadd.s32 $0xFFFF8000  }
0x14e: {  	[spmem:s12], [sflag:s7] =	dma.local [hbm:s26], $0x8000  }
0x14f: {  	_ =	swait.ge [sflag:s5], $0x8000  }
0x150: {  	[sflag:s5] =	ssyncset.done $0x0  }
0x151: {  	[sflag:s5] =	ssyncadd.s32 $0xFFFF8000  }
0x152: {  	[spmem:s3], [sflag:s9] =	dma.local [hbm:s25], $0x8000  }
0x153: {  	_ =	swait.ge [sflag:s8], $0x8000  }
0x154: {  	[sflag:s8] =	ssyncset.done $0x0  }
0x155: {  	[sflag:s8] =	ssyncadd.s32 $0xFFFF8000  }
0x156: {  	[spmem:s12], [sflag:s7] =	dma.local [hbm:s24], $0x8000  }
0x157: {  	_ =	swait.ge [sflag:s5], $0x8000  }
0x158: {  	[sflag:s5] =	ssyncset.done $0x0  }
0x159: {  	[sflag:s5] =	ssyncadd.s32 $0xFFFF8000  }
0x15a: {  	[spmem:s3], [sflag:s9] =	dma.local [hbm:s23], $0x8000  }
0x15b: {  	_ =	swait.ge [sflag:s8], $0x8000  }
0x15c: {  	[sflag:s8] =	ssyncset.done $0x0  }
0x15d: {  	[sflag:s8] =	ssyncadd.s32 $0xFFFF8000  }
0x15e: {  	[spmem:s12], [sflag:s7] =	dma.local [hbm:s22], $0x8000  }
0x15f: {  	_ =	swait.ge [sflag:s5], $0x8000  }
0x160: {  	[sflag:s5] =	ssyncset.done $0x0  }
0x161: {  	[sflag:s5] =	ssyncadd.s32 $0xFFFF8000  }
0x162: {  	[spmem:s3], [sflag:s9] =	dma.local [hbm:s21], $0x8000  }
0x163: {  	_ =	swait.ge [sflag:s8], $0x8000  }
0x164: {  	[sflag:s8] =	ssyncset.done $0x0  }
0x165: {  	[sflag:s8] =	ssyncadd.s32 $0xFFFF8000  }
0x166: {  	[spmem:s12], [sflag:s7] =	dma.local [hbm:s20], $0x8000  }
0x167: {  	_ =	swait.ge [sflag:s5], $0x8000  }
0x168: {  	[sflag:s5] =	ssyncset.done $0x0  }
0x169: {  	[sflag:s5] =	ssyncadd.s32 $0xFFFF8000  }
0x16a: {  	[spmem:s3], [sflag:s9] =	dma.local [hbm:s19], $0x8000  }
0x16b: {  	_ =	swait.ge [sflag:s8], $0x8000  }
0x16c: {  	[sflag:s8] =	ssyncset.done $0x0  }
0x16d: {  	[sflag:s8] =	ssyncadd.s32 $0xFFFF8000  }
0x16e: {  	[spmem:s12], [sflag:s7] =	dma.local [hbm:s18], $0x8000  }
0x16f: {  	_ =	swait.ge [sflag:s5], $0x8000  }
0x170: {  	[sflag:s5] =	ssyncset.done $0x0  }
0x171: {  	[sflag:s5] =	ssyncadd.s32 $0xFFFF8000  }
0x172: {  	[spmem:s3], [sflag:s9] =	dma.local [hbm:s17], $0x8000  }
0x173: {  	_ =	swait.ge [sflag:s8], $0x8000  }
0x174: {  	[sflag:s8] =	ssyncset.done $0x0  }
0x175: {  	[sflag:s8] =	ssyncadd.s32 $0xFFFF8000  }
0x176: {  	[spmem:s12], [sflag:s7] =	dma.local [hbm:s16], $0x8000  }
0x177: {  	_ =	swait.ge [sflag:s5], $0x8000  }
0x178: {  	[sflag:s5] =	ssyncset.done $0x0  }
0x179: {  	[sflag:s5] =	ssyncadd.s32 $0xFFFF8000  }
0x17a: {  	[spmem:s3], [sflag:s9] =	dma.local [hbm:s15], $0x8000  }
0x17b: {  	_ =	swait.ge [sflag:s8], $0x8000  }
0x17c: {  	[sflag:s8] =	ssyncset.done $0x0  }
0x17d: {  	[sflag:s8] =	ssyncadd.s32 $0xFFFF8000  }
0x17e: {  	[spmem:s12], [sflag:s7] =	dma.local [hbm:s14], $0x8000  }
0x17f: {  	_ =	swait.ge [sflag:s5], $0x8000  }
0x180: {  	[sflag:s5] =	ssyncset.done $0x0  }
0x181: {  	[sflag:s5] =	ssyncadd.s32 $0xFFFF8000  }
0x182: {  	[spmem:s3], [sflag:s9] =	dma.local [hbm:s13], $0x8000  }
0x183: {  	_ =	swait.ge [sflag:s8], $0x8000  }
0x184: {  	[sflag:s8] =	ssyncset.done $0x0  }
0x185: {  	[sflag:s8] =	ssyncadd.s32 $0xFFFF8000  }
0x186: {  	[spmem:s12], [sflag:s7] =	dma.local [hbm:s11], $0x8000  }
0x187: {  	_ =	swait.ge [sflag:s5], $0x8000  }
0x188: {  	[sflag:s5] =	ssyncset.done $0x0  }
0x189: {  	[sflag:s5] =	ssyncadd.s32 $0xFFFF8000  }
0x18a: {  	[spmem:s3], [sflag:s9] =	dma.local [hbm:s10], $0x8000  }
0x18b: {  	_ =	swait.ge [sflag:s8], $0x8000  }
0x18c: {  	[sflag:s8] =	ssyncset.done $0x0  }
0x18d: {  	[sflag:s8] =	ssyncadd.s32 $0xFFFF8000  }
0x18e: {  	[spmem:s12], [sflag:s7] =	dma.local [hbm:s6], $0x8000  }
0x18f: {  	_ =	swait.ge [sflag:s5], $0x8000  }
0x190: {  	[sflag:s5] =	ssyncset.done $0x0  }
0x191: {  	[sflag:s5] =	ssyncadd.s32 $0xFFFF8000  }
0x192: {  	[spmem:s3], [sflag:s9] =	dma.local [hbm:s4], $0x8000  }
0x193: {  	_ =	swait.ge [sflag:s8], $0x8000  }
0x194: {  	[sflag:s8] =	ssyncset.done $0x0  }
0x195: {  	[sflag:s8] =	ssyncadd.s32 $0xFFFF8000  }
0x196: {  	[spmem:s12], [sflag:s7] =	dma.local [hbm:s2], $0x8000  }
0x197: {  	_ =	swait.ge [sflag:s5], $0x8000  }
0x198: {  	[sflag:s5] =	ssyncset.done $0x0  }
0x199: {  	[sflag:s5] =	ssyncadd.s32 $0xFFFF8000  }
0x19a: {  	[spmem:s3], [sflag:s9] =	dma.local [hbm:s1], $0x8000  }
0x19b: {  	_ =	swait.ge [sflag:s8], $0x8000  }
0x19c: {  	[sflag:s8] =	ssyncset.done $0x0  }
0x19d: {  	[sflag:s8] =	ssyncadd.s32 $0xFFFF8000  }
0x19e: {  	_ =	swait.ge [sflag:s5], $0x8000  }
0x19f: {  	[sflag:s5] =	ssyncset.done $0x0  }
0x1a0: {  	[sflag:s5] =	ssyncadd.s32 $0xFFFF8000  }
.LBB2_5:
0x1a1: {  	_ =	sfence.sel $0x180000  }
0x1a2: {  	[bflag:$0x0] =	sbarrier.arrive $0xFFFF  }
0x1a3: {  	_ =	strace $0x90000047  }
0x1a4: {  	s0 =	sadd.s32 @!p0 $0x100000, s0;
	[bflag:$0x2] =	sbarrier.arrive $0xFFFF  }
0x1a5: {  	[sflag:s0] =	ssyncadd.tile.s32 @!p0 $0x1;
	_ =	shalt  }
.Lfunc_end2:
_tile_overlayer_lowered:
.L_overlay_start_2:
0x1a6: {  	(tag) =	ssettag $0x2  }
0x1a7: {  	s0 =	rddreg [dreg:$0x0];
	s2 =	stileid.u32  }
0x1a8: {  	s1 =	rddreg [dreg:$0x1];
	p0 =	sne.s32 s2, $0x0  }
0x1a9: {  	s3 =	rddreg [dreg:$0x2];
	[bflag:$0x3] =	sbarrier.arrive $0xFFFF;
	s2 =	simm.s32 @!p0 $0x1C03  }
0x1aa: {  	[timem:s3], [sflag:s2] =	dma.local @!p0 [hbm:s0], s1  }
0x1ab: {  	s0 =	simm.s32 @!p0 $0x3  }
0x1ac: {  	_ =	swait.ge @!p0 [sflag:s0], s1  }
0x1ad: {  	s1 =	ssub.s32 @!p0 $0x0, s1;
	[sflag:s0] =	ssyncset.done @!p0 $0x0  }
0x1ae: {  	[sflag:s0] =	ssyncadd.s32 @!p0 s1  }
0x1af: {  	[bflag:$0x3] =	sbarrier.arrive $0xFFFF  }
0x1b0: {  	_ =	shalt  }

</sc_bundles>
